<compile_context>
chip_gen: v7x
topology: tpu7x:2x2x1
jax: 0.10.2.dev20260603
libtpu: 0.0.44.dev20260713+nightly
codegen_flags: <defaults>
</compile_context>

<pallas_src>
import functools

import jax
import jax.numpy as jnp
from jax import lax
from jax.experimental import pallas as pl
from jax.experimental.pallas import tpu as pltpu
from jax.experimental.pallas import tpu_sc as plsc

_L = 1600
_B = 128
_T = 16000
_M = 1664
_PAD_W = _T + 2 * _M
_NC = 2
_NS = 16
_NW = _NC * _NS
_ROWS_PER_W = _B // _NW
_LANES = 16
_CHUNKS = _T // _LANES
_TILE = 128
_NTILES = _T // _TILE


def _sc_shift_kernel(x_hbm, shifts_hbm, out_hbm, pad0, pad1, out0, out1,
                     out2, out3, sh_v, in_sems, out_sems):
  wid = lax.axis_index("s") * _NC + lax.axis_index("c")
  pads = [pad0, pad1]
  outs = [out0, out1, out2, out3]

  def in_pairs(j, c):
    r = wid * _ROWS_PER_W + j
    off = pl.multiple_of(c * _TILE, _TILE)
    return (x_hbm.at[r, pl.ds(off, _TILE)],
            pads[j % 2].at[0, pl.ds(_M + off, _TILE)], in_sems[j % 2])

  def out_pairs(j, c):
    r = wid * _ROWS_PER_W + j
    off = pl.multiple_of(c * _TILE, _TILE)
    return (outs[j].at[0, pl.ds(off, _TILE)],
            out_hbm.at[r, pl.ds(off, _TILE)], out_sems[j])

  def fire(pairs, j, lo=0, hi=_NTILES):
    @plsc.parallel_loop(lo, hi, 1, unroll=4)
    def body(c):
      pltpu.async_copy(*pairs(j, c))

  def drain_in(j):
    r = wid * _ROWS_PER_W + j
    pltpu.make_async_copy(x_hbm.at[r, pl.ds(0, _T)],
                          pads[j % 2].at[0, pl.ds(_M, _T)],
                          in_sems[j % 2]).wait()

  def drain_out(j):
    r = wid * _ROWS_PER_W + j
    pltpu.make_async_copy(outs[j].at[0, pl.ds(0, _T)],
                          out_hbm.at[r, pl.ds(0, _T)],
                          out_sems[j]).wait()

  fire(in_pairs, 0)
  fire(in_pairs, 1)

  pltpu.sync_copy(shifts_hbm, sh_v.at[pl.ds(0, _B)])
  zeros = jnp.zeros((_LANES,), jnp.float32)
  for b in range(2):
    pad_z = pads[b]

    @plsc.parallel_loop(0, _M // _LANES, 1, unroll=4)
    def zero_margins(i):
      pad_z[0, pl.ds(i * _LANES, _LANES)] = zeros
      pad_z[0, pl.ds(_M + _T + i * _LANES, _LANES)] = zeros

  starts = [(_M + _L) - sh_v[pl.ds(wid * _ROWS_PER_W + j, _LANES)][0]
            for j in range(_ROWS_PER_W)]

  for j in range(_ROWS_PER_W):
    b = j % 2
    drain_in(j)
    start = starts[j]
    pad_b, out_b = pads[b], outs[j]

    @plsc.parallel_loop(0, _CHUNKS, 1, unroll=8)
    def chunk(k):
      out_b[0, pl.ds(k * _LANES, _LANES)] = pad_b[0, pl.ds(start + k * _LANES,
                                                           _LANES)]

    fire(out_pairs, j)
    if j + 2 < _ROWS_PER_W:
      fire(in_pairs, j + 2)

  for j in range(_ROWS_PER_W):
    drain_out(j)


def kernel(x, shifts):
  mesh = plsc.VectorSubcoreMesh(core_axis_name="c", subcore_axis_name="s")
  f = functools.partial(
      pl.kernel,
      out_type=jax.ShapeDtypeStruct((_B, _T), jnp.float32),
      mesh=mesh,
      scratch_types=[
          pltpu.VMEM((1, _PAD_W), jnp.float32),
          pltpu.VMEM((1, _PAD_W), jnp.float32),
          pltpu.VMEM((1, _T), jnp.float32),
          pltpu.VMEM((1, _T), jnp.float32),
          pltpu.VMEM((1, _T), jnp.float32),
          pltpu.VMEM((1, _T), jnp.float32),
          pltpu.VMEM((_B + _LANES,), jnp.int32),
          [pltpu.SemaphoreType.DMA] * 2,
          [pltpu.SemaphoreType.DMA] * _ROWS_PER_W,
      ],
  )(_sc_shift_kernel)
  return f(x, shifts)

# --- scband reference (transcript-rebuilt; emitter-appended) ---
"""Pipeline reference for scband-rand-time-shift-33852932227390 (READ-ONLY COPY).

The authoritative reference and input builder live on the scoring server;
editing this copy changes nothing except your own understanding.
"""

import jax, jax.numpy as jnp
import numpy as np

TIME_SHIFT_LENGTH = 1600


def setup_inputs(seed: int = 0) -> dict:
    key = jax.random.key(seed)
    k1, k2 = jax.random.split(key)
    x = jax.random.normal(k1, (128, 16000), dtype=jnp.float32)
    # shift values in [0, 2L); reference maps them to [-L, L) like tf.random.uniform(minval=-L, maxval=L)
    shifts = jax.random.randint(k2, (128,), 0, 2 * TIME_SHIFT_LENGTH, dtype=jnp.int32)
    return {"x": x, "shifts": shifts}


def reference(x, shifts):
    # Faithful translation of RandTimeShift.call with training=True.
    # Original per-row semantics: out[b, t] = x[b, t - a_b] if 0 <= t - a_b < T else 0,
    # where a_b = random shift amount in [-L, L) (positive -> shift right, pad-left zeros;
    # negative -> shift left, pad-right zeros). The TF while_loop over the batch is
    # vectorized here as a clipped gather + validity mask.
    B, T = x.shape
    amounts = shifts - TIME_SHIFT_LENGTH  # map [0, 2L) -> [-L, L)
    t = jnp.arange(T, dtype=jnp.int32)[None, :]  # [1, T]
    src = t - amounts[:, None]  # [B, T] source index per output position
    valid = (src >= 0) & (src < T)
    src_c = jnp.clip(src, 0, T - 1)
    gathered = jnp.take_along_axis(x, src_c, axis=1)
    out = jnp.where(valid, gathered, jnp.zeros((), dtype=x.dtype))
    return out

if __name__ == "__main__":
    import jax
    _d = setup_inputs()
    print(jax.jit(kernel)(*tuple(_d.values())))

</pallas_src>

<mosaic_0001>
#map = affine_map<(d0, d1) -> (0, 0)>
#map1 = affine_map<(d0, d1) -> (0)>
module attributes {stable_mosaic.version = 14 : i64} {
  func.func @_sc_shift_kernel(%arg0: i32, %arg1: i32, %arg2: memref<128x16000xf32, #tpu.memory_space<hbm>>, %arg3: memref<128xi32, #tpu.memory_space<hbm>>, %arg4: memref<128x16000xf32, #tpu.memory_space<hbm>>, %arg5: memref<1x19328xf32, #tpu.memory_space<vmem>>, %arg6: memref<1x19328xf32, #tpu.memory_space<vmem>>, %arg7: memref<1x16000xf32, #tpu.memory_space<vmem>>, %arg8: memref<1x16000xf32, #tpu.memory_space<vmem>>, %arg9: memref<1x16000xf32, #tpu.memory_space<vmem>>, %arg10: memref<1x16000xf32, #tpu.memory_space<vmem>>, %arg11: memref<144xi32, #tpu.memory_space<vmem>>, %arg12: memref<!tpu.dma_semaphore, #tpu.memory_space<semaphore_mem>>, %arg13: memref<!tpu.dma_semaphore, #tpu.memory_space<semaphore_mem>>, %arg14: memref<!tpu.dma_semaphore, #tpu.memory_space<semaphore_mem>>, %arg15: memref<!tpu.dma_semaphore, #tpu.memory_space<semaphore_mem>>, %arg16: memref<!tpu.dma_semaphore, #tpu.memory_space<semaphore_mem>>, %arg17: memref<!tpu.dma_semaphore, #tpu.memory_space<semaphore_mem>>) attributes {dimension_semantics = [#tpu.dimension_semantics<core_parallel>, #tpu.dimension_semantics<subcore_parallel>], iteration_bounds = array<i64: 2, 16>, scalar_prefetch = 0 : i64, scratch_operands = 13 : i64, tpu.core_type = #tpu.core_type<sc_vector_subcore>, window_params = [{transform_indices = #map}, {transform_indices = #map1}, {transform_indices = #map}]} {
    %mul3A = arith.constant 2 : i32
    %mul3A_0 = arith.muli %arg1, %mul3A : i32
    %add3A = arith.addi %mul3A_0, %arg0 : i32
    %parallel_loop3A = arith.constant 0 : i32
    %parallel_loop3A_1 = arith.constant 125 : i32
    %parallel_loop3A_2 = arith.constant 1 : i32
    scf.for %parallel_loop3A_218 = %parallel_loop3A to %parallel_loop3A_1 step %parallel_loop3A_2  : i32 {
      %parallel_loop3A_219 = arith.constant 4 : i32
      %parallel_loop3A_220 = arith.muli %add3A, %parallel_loop3A_219 : i32
      %parallel_loop3A_221 = arith.constant 0 : i32
      %parallel_loop3A_222 = arith.addi %parallel_loop3A_220, %parallel_loop3A_221 : i32
      %parallel_loop3A_223 = arith.constant 128 : i32
      %parallel_loop3A_224 = arith.muli %parallel_loop3A_218, %parallel_loop3A_223 : i32
      %parallel_loop3A_225 = tpu.assume_multiple %parallel_loop3A_224, 128 : i32
      %parallel_loop3A_226 = arith.constant 1664 : i32
      %parallel_loop3A_227 = arith.addi %parallel_loop3A_226, %parallel_loop3A_225 : i32
      %parallel_loop3A_228 = arith.constant 0 : i32
      %parallel_loop3A_229 = tpu.memref_slice %arg5[%parallel_loop3A_228, %parallel_loop3A_227] : memref<1x19328xf32, #tpu.memory_space<vmem>> -> memref<1x128xf32, #tpu.memory_space<vmem>>
      %parallel_loop3A_230 = tpu.memref_squeeze %parallel_loop3A_229 : memref<1x128xf32, #tpu.memory_space<vmem>> -> memref<128xf32, #tpu.memory_space<vmem>>
      %parallel_loop3A_231 = tpu.memref_slice %arg2[%parallel_loop3A_222, %parallel_loop3A_225] : memref<128x16000xf32, #tpu.memory_space<hbm>> -> memref<1x128xf32, #tpu.memory_space<hbm>>
      %parallel_loop3A_232 = tpu.memref_squeeze %parallel_loop3A_231 : memref<1x128xf32, #tpu.memory_space<hbm>> -> memref<128xf32, #tpu.memory_space<hbm>>
      %parallel_loop3A_233 = tpu.memref_slice %arg5[%parallel_loop3A_228, %parallel_loop3A_227] : memref<1x19328xf32, #tpu.memory_space<vmem>> -> memref<1x128xf32, #tpu.memory_space<vmem>>
      %parallel_loop3A_234 = tpu.memref_squeeze %parallel_loop3A_233 : memref<1x128xf32, #tpu.memory_space<vmem>> -> memref<128xf32, #tpu.memory_space<vmem>>
      %parallel_loop3A_235 = tpu.memref_slice %arg2[%parallel_loop3A_222, %parallel_loop3A_225] : memref<128x16000xf32, #tpu.memory_space<hbm>> -> memref<1x128xf32, #tpu.memory_space<hbm>>
      %parallel_loop3A_236 = tpu.memref_squeeze %parallel_loop3A_235 : memref<1x128xf32, #tpu.memory_space<hbm>> -> memref<128xf32, #tpu.memory_space<hbm>>
      tpu.enqueue_dma source(%parallel_loop3A_236 : memref<128xf32, #tpu.memory_space<hbm>>) target(%parallel_loop3A_234 : memref<128xf32, #tpu.memory_space<vmem>>) target_semaphore(%arg12 : memref<!tpu.dma_semaphore, #tpu.memory_space<semaphore_mem>>)
    } {sc.loop_unroll_factor = 4 : i64, sc.parallel_access}
    %parallel_loop3A_3 = arith.constant 0 : i32
    %parallel_loop3A_4 = arith.constant 125 : i32
    %parallel_loop3A_5 = arith.constant 1 : i32
    scf.for %parallel_loop3A_218 = %parallel_loop3A_3 to %parallel_loop3A_4 step %parallel_loop3A_5  : i32 {
      %parallel_loop3A_219 = arith.constant 4 : i32
      %parallel_loop3A_220 = arith.muli %add3A, %parallel_loop3A_219 : i32
      %parallel_loop3A_221 = arith.constant 1 : i32
      %parallel_loop3A_222 = arith.addi %parallel_loop3A_220, %parallel_loop3A_221 : i32
      %parallel_loop3A_223 = arith.constant 128 : i32
      %parallel_loop3A_224 = arith.muli %parallel_loop3A_218, %parallel_loop3A_223 : i32
      %parallel_loop3A_225 = tpu.assume_multiple %parallel_loop3A_224, 128 : i32
      %parallel_loop3A_226 = arith.constant 1664 : i32
      %parallel_loop3A_227 = arith.addi %parallel_loop3A_226, %parallel_loop3A_225 : i32
      %parallel_loop3A_228 = arith.constant 0 : i32
      %parallel_loop3A_229 = tpu.memref_slice %arg6[%parallel_loop3A_228, %parallel_loop3A_227] : memref<1x19328xf32, #tpu.memory_space<vmem>> -> memref<1x128xf32, #tpu.memory_space<vmem>>
      %parallel_loop3A_230 = tpu.memref_squeeze %parallel_loop3A_229 : memref<1x128xf32, #tpu.memory_space<vmem>> -> memref<128xf32, #tpu.memory_space<vmem>>
      %parallel_loop3A_231 = tpu.memref_slice %arg2[%parallel_loop3A_222, %parallel_loop3A_225] : memref<128x16000xf32, #tpu.memory_space<hbm>> -> memref<1x128xf32, #tpu.memory_space<hbm>>
      %parallel_loop3A_232 = tpu.memref_squeeze %parallel_loop3A_231 : memref<1x128xf32, #tpu.memory_space<hbm>> -> memref<128xf32, #tpu.memory_space<hbm>>
      %parallel_loop3A_233 = tpu.memref_slice %arg6[%parallel_loop3A_228, %parallel_loop3A_227] : memref<1x19328xf32, #tpu.memory_space<vmem>> -> memref<1x128xf32, #tpu.memory_space<vmem>>
      %parallel_loop3A_234 = tpu.memref_squeeze %parallel_loop3A_233 : memref<1x128xf32, #tpu.memory_space<vmem>> -> memref<128xf32, #tpu.memory_space<vmem>>
      %parallel_loop3A_235 = tpu.memref_slice %arg2[%parallel_loop3A_222, %parallel_loop3A_225] : memref<128x16000xf32, #tpu.memory_space<hbm>> -> memref<1x128xf32, #tpu.memory_space<hbm>>
      %parallel_loop3A_236 = tpu.memref_squeeze %parallel_loop3A_235 : memref<1x128xf32, #tpu.memory_space<hbm>> -> memref<128xf32, #tpu.memory_space<hbm>>
      tpu.enqueue_dma source(%parallel_loop3A_236 : memref<128xf32, #tpu.memory_space<hbm>>) target(%parallel_loop3A_234 : memref<128xf32, #tpu.memory_space<vmem>>) target_semaphore(%arg13 : memref<!tpu.dma_semaphore, #tpu.memory_space<semaphore_mem>>)
    } {sc.loop_unroll_factor = 4 : i64, sc.parallel_access}
    "tpu.region"() ({
      %run_scoped3A = tpu.sem_alloc : memref<!tpu.dma_semaphore, #tpu.memory_space<semaphore_mem>>
      %dma_start3A = arith.constant 0 : i32
      %dma_start3A_218 = tpu.memref_slice %arg11[%dma_start3A] : memref<144xi32, #tpu.memory_space<vmem>> -> memref<128xi32, #tpu.memory_space<vmem>>
      %dma_start3A_219 = arith.constant 0 : i32
      %dma_start3A_220 = tpu.memref_slice %arg11[%dma_start3A_219] : memref<144xi32, #tpu.memory_space<vmem>> -> memref<128xi32, #tpu.memory_space<vmem>>
      tpu.enqueue_dma source(%arg3 : memref<128xi32, #tpu.memory_space<hbm>>) target(%dma_start3A_220 : memref<128xi32, #tpu.memory_space<vmem>>) target_semaphore(%run_scoped3A : memref<!tpu.dma_semaphore, #tpu.memory_space<semaphore_mem>>)
      %dma_wait3A_221 = arith.constant 0 : i32
      %dma_wait3A_222 = tpu.memref_slice %arg11[%dma_wait3A_221] : memref<144xi32, #tpu.memory_space<vmem>> -> memref<128xi32, #tpu.memory_space<vmem>>
      %dma_wait3A_223 = arith.constant 0 : i32
      %dma_wait3A_224 = tpu.memref_slice %arg11[%dma_wait3A_223] : memref<144xi32, #tpu.memory_space<vmem>> -> memref<128xi32, #tpu.memory_space<vmem>>
      tpu.wait_dma2 semaphore(%run_scoped3A : memref<!tpu.dma_semaphore, #tpu.memory_space<semaphore_mem>>) src(%arg3 : memref<128xi32, #tpu.memory_space<hbm>>) dst(%dma_wait3A_224 : memref<128xi32, #tpu.memory_space<vmem>>)
      tpu.yield
    }) : () -> ()
    %broadcast_in_dim3A = arith.constant 0.000000e+00 : f32
    %broadcast_in_dim3A_6 = vector.broadcast %broadcast_in_dim3A : f32 to vector<16xf32>
    %parallel_loop3A_7 = arith.constant 0 : i32
    %parallel_loop3A_8 = arith.constant 104 : i32
    %parallel_loop3A_9 = arith.constant 1 : i32
    scf.for %parallel_loop3A_218 = %parallel_loop3A_7 to %parallel_loop3A_8 step %parallel_loop3A_9  : i32 {
      %parallel_loop3A_219 = arith.constant 16 : i32
      %parallel_loop3A_220 = arith.muli %parallel_loop3A_218, %parallel_loop3A_219 : i32
      %parallel_loop3A_221 = arith.constant 0 : i32
      %parallel_loop3A_222 = arith.index_cast %parallel_loop3A_221 : i32 to index
      %parallel_loop3A_223 = arith.index_cast %parallel_loop3A_220 : i32 to index
      %parallel_loop3A_224 = tpu.vector_load %arg5[%parallel_loop3A_222, %parallel_loop3A_223] {strides = array<i32>} : memref<1x19328xf32, #tpu.memory_space<vmem>>, vector<1x16xf32>,
      %parallel_loop3A_225 = vector.shape_cast %parallel_loop3A_224 : vector<1x16xf32> to vector<16xf32>
      %parallel_loop3A_226 = vector.shape_cast %broadcast_in_dim3A_6 : vector<16xf32> to vector<1x16xf32>
      tpu.vector_store %arg5[%parallel_loop3A_222, %parallel_loop3A_223], %parallel_loop3A_226 {strides = array<i32>} : memref<1x19328xf32, #tpu.memory_space<vmem>>, vector<1x16xf32>,
      %parallel_loop3A_227 = arith.constant 16 : i32
      %parallel_loop3A_228 = arith.muli %parallel_loop3A_218, %parallel_loop3A_227 : i32
      %parallel_loop3A_229 = arith.constant 17664 : i32
      %parallel_loop3A_230 = arith.addi %parallel_loop3A_229, %parallel_loop3A_228 : i32
      %parallel_loop3A_231 = arith.constant 0 : i32
      %parallel_loop3A_232 = arith.index_cast %parallel_loop3A_231 : i32 to index
      %parallel_loop3A_233 = arith.index_cast %parallel_loop3A_230 : i32 to index
      %parallel_loop3A_234 = tpu.vector_load %arg5[%parallel_loop3A_232, %parallel_loop3A_233] {strides = array<i32>} : memref<1x19328xf32, #tpu.memory_space<vmem>>, vector<1x16xf32>,
      %parallel_loop3A_235 = vector.shape_cast %parallel_loop3A_234 : vector<1x16xf32> to vector<16xf32>
      %parallel_loop3A_236 = vector.shape_cast %broadcast_in_dim3A_6 : vector<16xf32> to vector<1x16xf32>
      tpu.vector_store %arg5[%parallel_loop3A_232, %parallel_loop3A_233], %parallel_loop3A_236 {strides = array<i32>} : memref<1x19328xf32, #tpu.memory_space<vmem>>, vector<1x16xf32>,
    } {sc.loop_unroll_factor = 4 : i64, sc.parallel_access}
    %parallel_loop3A_10 = arith.constant 0 : i32
    %parallel_loop3A_11 = arith.constant 104 : i32
    %parallel_loop3A_12 = arith.constant 1 : i32
    scf.for %parallel_loop3A_218 = %parallel_loop3A_10 to %parallel_loop3A_11 step %parallel_loop3A_12  : i32 {
      %parallel_loop3A_219 = arith.constant 16 : i32
      %parallel_loop3A_220 = arith.muli %parallel_loop3A_218, %parallel_loop3A_219 : i32
      %parallel_loop3A_221 = arith.constant 0 : i32
      %parallel_loop3A_222 = arith.index_cast %parallel_loop3A_221 : i32 to index
      %parallel_loop3A_223 = arith.index_cast %parallel_loop3A_220 : i32 to index
      %parallel_loop3A_224 = tpu.vector_load %arg6[%parallel_loop3A_222, %parallel_loop3A_223] {strides = array<i32>} : memref<1x19328xf32, #tpu.memory_space<vmem>>, vector<1x16xf32>,
      %parallel_loop3A_225 = vector.shape_cast %parallel_loop3A_224 : vector<1x16xf32> to vector<16xf32>
      %parallel_loop3A_226 = vector.shape_cast %broadcast_in_dim3A_6 : vector<16xf32> to vector<1x16xf32>
      tpu.vector_store %arg6[%parallel_loop3A_222, %parallel_loop3A_223], %parallel_loop3A_226 {strides = array<i32>} : memref<1x19328xf32, #tpu.memory_space<vmem>>, vector<1x16xf32>,
      %parallel_loop3A_227 = arith.constant 16 : i32
      %parallel_loop3A_228 = arith.muli %parallel_loop3A_218, %parallel_loop3A_227 : i32
      %parallel_loop3A_229 = arith.constant 17664 : i32
      %parallel_loop3A_230 = arith.addi %parallel_loop3A_229, %parallel_loop3A_228 : i32
      %parallel_loop3A_231 = arith.constant 0 : i32
      %parallel_loop3A_232 = arith.index_cast %parallel_loop3A_231 : i32 to index
      %parallel_loop3A_233 = arith.index_cast %parallel_loop3A_230 : i32 to index
      %parallel_loop3A_234 = tpu.vector_load %arg6[%parallel_loop3A_232, %parallel_loop3A_233] {strides = array<i32>} : memref<1x19328xf32, #tpu.memory_space<vmem>>, vector<1x16xf32>,
      %parallel_loop3A_235 = vector.shape_cast %parallel_loop3A_234 : vector<1x16xf32> to vector<16xf32>
      %parallel_loop3A_236 = vector.shape_cast %broadcast_in_dim3A_6 : vector<16xf32> to vector<1x16xf32>
      tpu.vector_store %arg6[%parallel_loop3A_232, %parallel_loop3A_233], %parallel_loop3A_236 {strides = array<i32>} : memref<1x19328xf32, #tpu.memory_space<vmem>>, vector<1x16xf32>,
    } {sc.loop_unroll_factor = 4 : i64, sc.parallel_access}
    %mul3A_13 = arith.constant 4 : i32
    %mul3A_14 = arith.muli %add3A, %mul3A_13 : i32
    %add3A_15 = arith.constant 0 : i32
    %add3A_16 = arith.addi %mul3A_14, %add3A_15 : i32
    %get3A = arith.index_cast %add3A_16 : i32 to index
    %get3A_17 = tpu.vector_load %arg11[%get3A] {strides = array<i32>} : memref<144xi32, #tpu.memory_space<vmem>>, vector<16xi32>,
    %get3A_18 = vector.shape_cast %get3A_17 : vector<16xi32> to vector<16xi32>
    %slice3A = vector.extract_strided_slice %get3A_18 {offsets = [0], sizes = [1], strides = [1]} : vector<16xi32> to vector<1xi32>
    %squeeze3A = vector.extract %slice3A[0] : i32 from vector<1xi32>
    %sub3A = arith.constant 3264 : i32
    %sub3A_19 = arith.subi %sub3A, %squeeze3A : i32
    %mul3A_20 = arith.constant 4 : i32
    %mul3A_21 = arith.muli %add3A, %mul3A_20 : i32
    %add3A_22 = arith.constant 1 : i32
    %add3A_23 = arith.addi %mul3A_21, %add3A_22 : i32
    %get3A_24 = arith.index_cast %add3A_23 : i32 to index
    %get3A_25 = tpu.vector_load %arg11[%get3A_24] {strides = array<i32>} : memref<144xi32, #tpu.memory_space<vmem>>, vector<16xi32>,
    %get3A_26 = vector.shape_cast %get3A_25 : vector<16xi32> to vector<16xi32>
    %slice3A_27 = vector.extract_strided_slice %get3A_26 {offsets = [0], sizes = [1], strides = [1]} : vector<16xi32> to vector<1xi32>
    %squeeze3A_28 = vector.extract %slice3A_27[0] : i32 from vector<1xi32>
    %sub3A_29 = arith.constant 3264 : i32
    %sub3A_30 = arith.subi %sub3A_29, %squeeze3A_28 : i32
    %mul3A_31 = arith.constant 4 : i32
    %mul3A_32 = arith.muli %add3A, %mul3A_31 : i32
    %add3A_33 = arith.constant 2 : i32
    %add3A_34 = arith.addi %mul3A_32, %add3A_33 : i32
    %get3A_35 = arith.index_cast %add3A_34 : i32 to index
    %get3A_36 = tpu.vector_load %arg11[%get3A_35] {strides = array<i32>} : memref<144xi32, #tpu.memory_space<vmem>>, vector<16xi32>,
    %get3A_37 = vector.shape_cast %get3A_36 : vector<16xi32> to vector<16xi32>
    %slice3A_38 = vector.extract_strided_slice %get3A_37 {offsets = [0], sizes = [1], strides = [1]} : vector<16xi32> to vector<1xi32>
    %squeeze3A_39 = vector.extract %slice3A_38[0] : i32 from vector<1xi32>
    %sub3A_40 = arith.constant 3264 : i32
    %sub3A_41 = arith.subi %sub3A_40, %squeeze3A_39 : i32
    %mul3A_42 = arith.constant 4 : i32
    %mul3A_43 = arith.muli %add3A, %mul3A_42 : i32
    %add3A_44 = arith.constant 3 : i32
    %add3A_45 = arith.addi %mul3A_43, %add3A_44 : i32
    %get3A_46 = arith.index_cast %add3A_45 : i32 to index
    %get3A_47 = tpu.vector_load %arg11[%get3A_46] {strides = array<i32>} : memref<144xi32, #tpu.memory_space<vmem>>, vector<16xi32>,
    %get3A_48 = vector.shape_cast %get3A_47 : vector<16xi32> to vector<16xi32>
    %slice3A_49 = vector.extract_strided_slice %get3A_48 {offsets = [0], sizes = [1], strides = [1]} : vector<16xi32> to vector<1xi32>
    %squeeze3A_50 = vector.extract %slice3A_49[0] : i32 from vector<1xi32>
    %sub3A_51 = arith.constant 3264 : i32
    %sub3A_52 = arith.subi %sub3A_51, %squeeze3A_50 : i32
    %mul3A_53 = arith.constant 4 : i32
    %mul3A_54 = arith.muli %add3A, %mul3A_53 : i32
    %add3A_55 = arith.constant 0 : i32
    %add3A_56 = arith.addi %mul3A_54, %add3A_55 : i32
    %dma_wait3A = arith.constant 0 : i32
    %dma_wait3A_57 = arith.constant 1664 : i32
    %dma_wait3A_58 = tpu.memref_slice %arg5[%dma_wait3A, %dma_wait3A_57] : memref<1x19328xf32, #tpu.memory_space<vmem>> -> memref<1x16000xf32, #tpu.memory_space<vmem>>
    %dma_wait3A_59 = tpu.memref_squeeze %dma_wait3A_58 : memref<1x16000xf32, #tpu.memory_space<vmem>> -> memref<16000xf32, #tpu.memory_space<vmem>>
    %dma_wait3A_60 = arith.constant 0 : i32
    %dma_wait3A_61 = tpu.memref_slice %arg2[%add3A_56, %dma_wait3A_60] : memref<128x16000xf32, #tpu.memory_space<hbm>> -> memref<1x16000xf32, #tpu.memory_space<hbm>>
    %dma_wait3A_62 = tpu.memref_squeeze %dma_wait3A_61 : memref<1x16000xf32, #tpu.memory_space<hbm>> -> memref<16000xf32, #tpu.memory_space<hbm>>
    %dma_wait3A_63 = arith.constant 1664 : i32
    %dma_wait3A_64 = tpu.memref_slice %arg5[%dma_wait3A, %dma_wait3A_63] : memref<1x19328xf32, #tpu.memory_space<vmem>> -> memref<1x16000xf32, #tpu.memory_space<vmem>>
    %dma_wait3A_65 = tpu.memref_squeeze %dma_wait3A_64 : memref<1x16000xf32, #tpu.memory_space<vmem>> -> memref<16000xf32, #tpu.memory_space<vmem>>
    %dma_wait3A_66 = arith.constant 0 : i32
    %dma_wait3A_67 = tpu.memref_slice %arg2[%add3A_56, %dma_wait3A_66] : memref<128x16000xf32, #tpu.memory_space<hbm>> -> memref<1x16000xf32, #tpu.memory_space<hbm>>
    %dma_wait3A_68 = tpu.memref_squeeze %dma_wait3A_67 : memref<1x16000xf32, #tpu.memory_space<hbm>> -> memref<16000xf32, #tpu.memory_space<hbm>>
    tpu.wait_dma2 semaphore(%arg12 : memref<!tpu.dma_semaphore, #tpu.memory_space<semaphore_mem>>) src(%dma_wait3A_68 : memref<16000xf32, #tpu.memory_space<hbm>>) dst(%dma_wait3A_65 : memref<16000xf32, #tpu.memory_space<vmem>>)
    %parallel_loop3A_69 = arith.constant 0 : i32
    %parallel_loop3A_70 = arith.constant 1000 : i32
    %parallel_loop3A_71 = arith.constant 1 : i32
    scf.for %parallel_loop3A_218 = %parallel_loop3A_69 to %parallel_loop3A_70 step %parallel_loop3A_71  : i32 {
      %parallel_loop3A_219 = arith.constant 16 : i32
      %parallel_loop3A_220 = arith.muli %parallel_loop3A_218, %parallel_loop3A_219 : i32
      %parallel_loop3A_221 = arith.addi %sub3A_19, %parallel_loop3A_220 : i32
      %parallel_loop3A_222 = arith.constant 0 : i32
      %parallel_loop3A_223 = arith.index_cast %parallel_loop3A_222 : i32 to index
      %parallel_loop3A_224 = arith.index_cast %parallel_loop3A_221 : i32 to index
      %parallel_loop3A_225 = tpu.vector_load %arg5[%parallel_loop3A_223, %parallel_loop3A_224] {strides = array<i32>} : memref<1x19328xf32, #tpu.memory_space<vmem>>, vector<1x16xf32>,
      %parallel_loop3A_226 = vector.shape_cast %parallel_loop3A_225 : vector<1x16xf32> to vector<16xf32>
      %parallel_loop3A_227 = arith.constant 16 : i32
      %parallel_loop3A_228 = arith.muli %parallel_loop3A_218, %parallel_loop3A_227 : i32
      %parallel_loop3A_229 = arith.constant 0 : i32
      %parallel_loop3A_230 = arith.index_cast %parallel_loop3A_229 : i32 to index
      %parallel_loop3A_231 = arith.index_cast %parallel_loop3A_228 : i32 to index
      %parallel_loop3A_232 = tpu.vector_load %arg7[%parallel_loop3A_230, %parallel_loop3A_231] {strides = array<i32>} : memref<1x16000xf32, #tpu.memory_space<vmem>>, vector<1x16xf32>,
      %parallel_loop3A_233 = vector.shape_cast %parallel_loop3A_232 : vector<1x16xf32> to vector<16xf32>
      %parallel_loop3A_234 = vector.shape_cast %parallel_loop3A_226 : vector<16xf32> to vector<1x16xf32>
      tpu.vector_store %arg7[%parallel_loop3A_230, %parallel_loop3A_231], %parallel_loop3A_234 {strides = array<i32>} : memref<1x16000xf32, #tpu.memory_space<vmem>>, vector<1x16xf32>,
    } {sc.loop_unroll_factor = 8 : i64, sc.parallel_access}
    %parallel_loop3A_72 = arith.constant 0 : i32
    %parallel_loop3A_73 = arith.constant 125 : i32
    %parallel_loop3A_74 = arith.constant 1 : i32
    scf.for %parallel_loop3A_218 = %parallel_loop3A_72 to %parallel_loop3A_73 step %parallel_loop3A_74  : i32 {
      %parallel_loop3A_219 = arith.constant 4 : i32
      %parallel_loop3A_220 = arith.muli %add3A, %parallel_loop3A_219 : i32
      %parallel_loop3A_221 = arith.constant 0 : i32
      %parallel_loop3A_222 = arith.addi %parallel_loop3A_220, %parallel_loop3A_221 : i32
      %parallel_loop3A_223 = arith.constant 128 : i32
      %parallel_loop3A_224 = arith.muli %parallel_loop3A_218, %parallel_loop3A_223 : i32
      %parallel_loop3A_225 = tpu.assume_multiple %parallel_loop3A_224, 128 : i32
      %parallel_loop3A_226 = arith.constant 0 : i32
      %parallel_loop3A_227 = tpu.memref_slice %arg7[%parallel_loop3A_226, %parallel_loop3A_225] : memref<1x16000xf32, #tpu.memory_space<vmem>> -> memref<1x128xf32, #tpu.memory_space<vmem>>
      %parallel_loop3A_228 = tpu.memref_squeeze %parallel_loop3A_227 : memref<1x128xf32, #tpu.memory_space<vmem>> -> memref<128xf32, #tpu.memory_space<vmem>>
      %parallel_loop3A_229 = tpu.memref_slice %arg4[%parallel_loop3A_222, %parallel_loop3A_225] : memref<128x16000xf32, #tpu.memory_space<hbm>> -> memref<1x128xf32, #tpu.memory_space<hbm>>
      %parallel_loop3A_230 = tpu.memref_squeeze %parallel_loop3A_229 : memref<1x128xf32, #tpu.memory_space<hbm>> -> memref<128xf32, #tpu.memory_space<hbm>>
      %parallel_loop3A_231 = tpu.memref_slice %arg4[%parallel_loop3A_222, %parallel_loop3A_225] : memref<128x16000xf32, #tpu.memory_space<hbm>> -> memref<1x128xf32, #tpu.memory_space<hbm>>
      %parallel_loop3A_232 = tpu.memref_squeeze %parallel_loop3A_231 : memref<1x128xf32, #tpu.memory_space<hbm>> -> memref<128xf32, #tpu.memory_space<hbm>>
      %parallel_loop3A_233 = tpu.memref_slice %arg7[%parallel_loop3A_226, %parallel_loop3A_225] : memref<1x16000xf32, #tpu.memory_space<vmem>> -> memref<1x128xf32, #tpu.memory_space<vmem>>
      %parallel_loop3A_234 = tpu.memref_squeeze %parallel_loop3A_233 : memref<1x128xf32, #tpu.memory_space<vmem>> -> memref<128xf32, #tpu.memory_space<vmem>>
      tpu.enqueue_dma source(%parallel_loop3A_234 : memref<128xf32, #tpu.memory_space<vmem>>) target(%parallel_loop3A_232 : memref<128xf32, #tpu.memory_space<hbm>>) target_semaphore(%arg14 : memref<!tpu.dma_semaphore, #tpu.memory_space<semaphore_mem>>)
    } {sc.loop_unroll_factor = 4 : i64, sc.parallel_access}
    %parallel_loop3A_75 = arith.constant 0 : i32
    %parallel_loop3A_76 = arith.constant 125 : i32
    %parallel_loop3A_77 = arith.constant 1 : i32
    scf.for %parallel_loop3A_218 = %parallel_loop3A_75 to %parallel_loop3A_76 step %parallel_loop3A_77  : i32 {
      %parallel_loop3A_219 = arith.constant 4 : i32
      %parallel_loop3A_220 = arith.muli %add3A, %parallel_loop3A_219 : i32
      %parallel_loop3A_221 = arith.constant 2 : i32
      %parallel_loop3A_222 = arith.addi %parallel_loop3A_220, %parallel_loop3A_221 : i32
      %parallel_loop3A_223 = arith.constant 128 : i32
      %parallel_loop3A_224 = arith.muli %parallel_loop3A_218, %parallel_loop3A_223 : i32
      %parallel_loop3A_225 = tpu.assume_multiple %parallel_loop3A_224, 128 : i32
      %parallel_loop3A_226 = arith.constant 1664 : i32
      %parallel_loop3A_227 = arith.addi %parallel_loop3A_226, %parallel_loop3A_225 : i32
      %parallel_loop3A_228 = arith.constant 0 : i32
      %parallel_loop3A_229 = tpu.memref_slice %arg5[%parallel_loop3A_228, %parallel_loop3A_227] : memref<1x19328xf32, #tpu.memory_space<vmem>> -> memref<1x128xf32, #tpu.memory_space<vmem>>
      %parallel_loop3A_230 = tpu.memref_squeeze %parallel_loop3A_229 : memref<1x128xf32, #tpu.memory_space<vmem>> -> memref<128xf32, #tpu.memory_space<vmem>>
      %parallel_loop3A_231 = tpu.memref_slice %arg2[%parallel_loop3A_222, %parallel_loop3A_225] : memref<128x16000xf32, #tpu.memory_space<hbm>> -> memref<1x128xf32, #tpu.memory_space<hbm>>
      %parallel_loop3A_232 = tpu.memref_squeeze %parallel_loop3A_231 : memref<1x128xf32, #tpu.memory_space<hbm>> -> memref<128xf32, #tpu.memory_space<hbm>>
      %parallel_loop3A_233 = tpu.memref_slice %arg5[%parallel_loop3A_228, %parallel_loop3A_227] : memref<1x19328xf32, #tpu.memory_space<vmem>> -> memref<1x128xf32, #tpu.memory_space<vmem>>
      %parallel_loop3A_234 = tpu.memref_squeeze %parallel_loop3A_233 : memref<1x128xf32, #tpu.memory_space<vmem>> -> memref<128xf32, #tpu.memory_space<vmem>>
      %parallel_loop3A_235 = tpu.memref_slice %arg2[%parallel_loop3A_222, %parallel_loop3A_225] : memref<128x16000xf32, #tpu.memory_space<hbm>> -> memref<1x128xf32, #tpu.memory_space<hbm>>
      %parallel_loop3A_236 = tpu.memref_squeeze %parallel_loop3A_235 : memref<1x128xf32, #tpu.memory_space<hbm>> -> memref<128xf32, #tpu.memory_space<hbm>>
      tpu.enqueue_dma source(%parallel_loop3A_236 : memref<128xf32, #tpu.memory_space<hbm>>) target(%parallel_loop3A_234 : memref<128xf32, #tpu.memory_space<vmem>>) target_semaphore(%arg12 : memref<!tpu.dma_semaphore, #tpu.memory_space<semaphore_mem>>)
    } {sc.loop_unroll_factor = 4 : i64, sc.parallel_access}
    %mul3A_78 = arith.constant 4 : i32
    %mul3A_79 = arith.muli %add3A, %mul3A_78 : i32
    %add3A_80 = arith.constant 1 : i32
    %add3A_81 = arith.addi %mul3A_79, %add3A_80 : i32
    %dma_wait3A_82 = arith.constant 0 : i32
    %dma_wait3A_83 = arith.constant 1664 : i32
    %dma_wait3A_84 = tpu.memref_slice %arg6[%dma_wait3A_82, %dma_wait3A_83] : memref<1x19328xf32, #tpu.memory_space<vmem>> -> memref<1x16000xf32, #tpu.memory_space<vmem>>
    %dma_wait3A_85 = tpu.memref_squeeze %dma_wait3A_84 : memref<1x16000xf32, #tpu.memory_space<vmem>> -> memref<16000xf32, #tpu.memory_space<vmem>>
    %dma_wait3A_86 = arith.constant 0 : i32
    %dma_wait3A_87 = tpu.memref_slice %arg2[%add3A_81, %dma_wait3A_86] : memref<128x16000xf32, #tpu.memory_space<hbm>> -> memref<1x16000xf32, #tpu.memory_space<hbm>>
    %dma_wait3A_88 = tpu.memref_squeeze %dma_wait3A_87 : memref<1x16000xf32, #tpu.memory_space<hbm>> -> memref<16000xf32, #tpu.memory_space<hbm>>
    %dma_wait3A_89 = arith.constant 1664 : i32
    %dma_wait3A_90 = tpu.memref_slice %arg6[%dma_wait3A_82, %dma_wait3A_89] : memref<1x19328xf32, #tpu.memory_space<vmem>> -> memref<1x16000xf32, #tpu.memory_space<vmem>>
    %dma_wait3A_91 = tpu.memref_squeeze %dma_wait3A_90 : memref<1x16000xf32, #tpu.memory_space<vmem>> -> memref<16000xf32, #tpu.memory_space<vmem>>
    %dma_wait3A_92 = arith.constant 0 : i32
    %dma_wait3A_93 = tpu.memref_slice %arg2[%add3A_81, %dma_wait3A_92] : memref<128x16000xf32, #tpu.memory_space<hbm>> -> memref<1x16000xf32, #tpu.memory_space<hbm>>
    %dma_wait3A_94 = tpu.memref_squeeze %dma_wait3A_93 : memref<1x16000xf32, #tpu.memory_space<hbm>> -> memref<16000xf32, #tpu.memory_space<hbm>>
    tpu.wait_dma2 semaphore(%arg13 : memref<!tpu.dma_semaphore, #tpu.memory_space<semaphore_mem>>) src(%dma_wait3A_94 : memref<16000xf32, #tpu.memory_space<hbm>>) dst(%dma_wait3A_91 : memref<16000xf32, #tpu.memory_space<vmem>>)
    %parallel_loop3A_95 = arith.constant 0 : i32
    %parallel_loop3A_96 = arith.constant 1000 : i32
    %parallel_loop3A_97 = arith.constant 1 : i32
    scf.for %parallel_loop3A_218 = %parallel_loop3A_95 to %parallel_loop3A_96 step %parallel_loop3A_97  : i32 {
      %parallel_loop3A_219 = arith.constant 16 : i32
      %parallel_loop3A_220 = arith.muli %parallel_loop3A_218, %parallel_loop3A_219 : i32
      %parallel_loop3A_221 = arith.addi %sub3A_30, %parallel_loop3A_220 : i32
      %parallel_loop3A_222 = arith.constant 0 : i32
      %parallel_loop3A_223 = arith.index_cast %parallel_loop3A_222 : i32 to index
      %parallel_loop3A_224 = arith.index_cast %parallel_loop3A_221 : i32 to index
      %parallel_loop3A_225 = tpu.vector_load %arg6[%parallel_loop3A_223, %parallel_loop3A_224] {strides = array<i32>} : memref<1x19328xf32, #tpu.memory_space<vmem>>, vector<1x16xf32>,
      %parallel_loop3A_226 = vector.shape_cast %parallel_loop3A_225 : vector<1x16xf32> to vector<16xf32>
      %parallel_loop3A_227 = arith.constant 16 : i32
      %parallel_loop3A_228 = arith.muli %parallel_loop3A_218, %parallel_loop3A_227 : i32
      %parallel_loop3A_229 = arith.constant 0 : i32
      %parallel_loop3A_230 = arith.index_cast %parallel_loop3A_229 : i32 to index
      %parallel_loop3A_231 = arith.index_cast %parallel_loop3A_228 : i32 to index
      %parallel_loop3A_232 = tpu.vector_load %arg8[%parallel_loop3A_230, %parallel_loop3A_231] {strides = array<i32>} : memref<1x16000xf32, #tpu.memory_space<vmem>>, vector<1x16xf32>,
      %parallel_loop3A_233 = vector.shape_cast %parallel_loop3A_232 : vector<1x16xf32> to vector<16xf32>
      %parallel_loop3A_234 = vector.shape_cast %parallel_loop3A_226 : vector<16xf32> to vector<1x16xf32>
      tpu.vector_store %arg8[%parallel_loop3A_230, %parallel_loop3A_231], %parallel_loop3A_234 {strides = array<i32>} : memref<1x16000xf32, #tpu.memory_space<vmem>>, vector<1x16xf32>,
    } {sc.loop_unroll_factor = 8 : i64, sc.parallel_access}
    %parallel_loop3A_98 = arith.constant 0 : i32
    %parallel_loop3A_99 = arith.constant 125 : i32
    %parallel_loop3A_100 = arith.constant 1 : i32
    scf.for %parallel_loop3A_218 = %parallel_loop3A_98 to %parallel_loop3A_99 step %parallel_loop3A_100  : i32 {
      %parallel_loop3A_219 = arith.constant 4 : i32
      %parallel_loop3A_220 = arith.muli %add3A, %parallel_loop3A_219 : i32
      %parallel_loop3A_221 = arith.constant 1 : i32
      %parallel_loop3A_222 = arith.addi %parallel_loop3A_220, %parallel_loop3A_221 : i32
      %parallel_loop3A_223 = arith.constant 128 : i32
      %parallel_loop3A_224 = arith.muli %parallel_loop3A_218, %parallel_loop3A_223 : i32
      %parallel_loop3A_225 = tpu.assume_multiple %parallel_loop3A_224, 128 : i32
      %parallel_loop3A_226 = arith.constant 0 : i32
      %parallel_loop3A_227 = tpu.memref_slice %arg8[%parallel_loop3A_226, %parallel_loop3A_225] : memref<1x16000xf32, #tpu.memory_space<vmem>> -> memref<1x128xf32, #tpu.memory_space<vmem>>
      %parallel_loop3A_228 = tpu.memref_squeeze %parallel_loop3A_227 : memref<1x128xf32, #tpu.memory_space<vmem>> -> memref<128xf32, #tpu.memory_space<vmem>>
      %parallel_loop3A_229 = tpu.memref_slice %arg4[%parallel_loop3A_222, %parallel_loop3A_225] : memref<128x16000xf32, #tpu.memory_space<hbm>> -> memref<1x128xf32, #tpu.memory_space<hbm>>
      %parallel_loop3A_230 = tpu.memref_squeeze %parallel_loop3A_229 : memref<1x128xf32, #tpu.memory_space<hbm>> -> memref<128xf32, #tpu.memory_space<hbm>>
      %parallel_loop3A_231 = tpu.memref_slice %arg4[%parallel_loop3A_222, %parallel_loop3A_225] : memref<128x16000xf32, #tpu.memory_space<hbm>> -> memref<1x128xf32, #tpu.memory_space<hbm>>
      %parallel_loop3A_232 = tpu.memref_squeeze %parallel_loop3A_231 : memref<1x128xf32, #tpu.memory_space<hbm>> -> memref<128xf32, #tpu.memory_space<hbm>>
      %parallel_loop3A_233 = tpu.memref_slice %arg8[%parallel_loop3A_226, %parallel_loop3A_225] : memref<1x16000xf32, #tpu.memory_space<vmem>> -> memref<1x128xf32, #tpu.memory_space<vmem>>
      %parallel_loop3A_234 = tpu.memref_squeeze %parallel_loop3A_233 : memref<1x128xf32, #tpu.memory_space<vmem>> -> memref<128xf32, #tpu.memory_space<vmem>>
      tpu.enqueue_dma source(%parallel_loop3A_234 : memref<128xf32, #tpu.memory_space<vmem>>) target(%parallel_loop3A_232 : memref<128xf32, #tpu.memory_space<hbm>>) target_semaphore(%arg15 : memref<!tpu.dma_semaphore, #tpu.memory_space<semaphore_mem>>)
    } {sc.loop_unroll_factor = 4 : i64, sc.parallel_access}
    %parallel_loop3A_101 = arith.constant 0 : i32
    %parallel_loop3A_102 = arith.constant 125 : i32
    %parallel_loop3A_103 = arith.constant 1 : i32
    scf.for %parallel_loop3A_218 = %parallel_loop3A_101 to %parallel_loop3A_102 step %parallel_loop3A_103  : i32 {
      %parallel_loop3A_219 = arith.constant 4 : i32
      %parallel_loop3A_220 = arith.muli %add3A, %parallel_loop3A_219 : i32
      %parallel_loop3A_221 = arith.constant 3 : i32
      %parallel_loop3A_222 = arith.addi %parallel_loop3A_220, %parallel_loop3A_221 : i32
      %parallel_loop3A_223 = arith.constant 128 : i32
      %parallel_loop3A_224 = arith.muli %parallel_loop3A_218, %parallel_loop3A_223 : i32
      %parallel_loop3A_225 = tpu.assume_multiple %parallel_loop3A_224, 128 : i32
      %parallel_loop3A_226 = arith.constant 1664 : i32
      %parallel_loop3A_227 = arith.addi %parallel_loop3A_226, %parallel_loop3A_225 : i32
      %parallel_loop3A_228 = arith.constant 0 : i32
      %parallel_loop3A_229 = tpu.memref_slice %arg6[%parallel_loop3A_228, %parallel_loop3A_227] : memref<1x19328xf32, #tpu.memory_space<vmem>> -> memref<1x128xf32, #tpu.memory_space<vmem>>
      %parallel_loop3A_230 = tpu.memref_squeeze %parallel_loop3A_229 : memref<1x128xf32, #tpu.memory_space<vmem>> -> memref<128xf32, #tpu.memory_space<vmem>>
      %parallel_loop3A_231 = tpu.memref_slice %arg2[%parallel_loop3A_222, %parallel_loop3A_225] : memref<128x16000xf32, #tpu.memory_space<hbm>> -> memref<1x128xf32, #tpu.memory_space<hbm>>
      %parallel_loop3A_232 = tpu.memref_squeeze %parallel_loop3A_231 : memref<1x128xf32, #tpu.memory_space<hbm>> -> memref<128xf32, #tpu.memory_space<hbm>>
      %parallel_loop3A_233 = tpu.memref_slice %arg6[%parallel_loop3A_228, %parallel_loop3A_227] : memref<1x19328xf32, #tpu.memory_space<vmem>> -> memref<1x128xf32, #tpu.memory_space<vmem>>
      %parallel_loop3A_234 = tpu.memref_squeeze %parallel_loop3A_233 : memref<1x128xf32, #tpu.memory_space<vmem>> -> memref<128xf32, #tpu.memory_space<vmem>>
      %parallel_loop3A_235 = tpu.memref_slice %arg2[%parallel_loop3A_222, %parallel_loop3A_225] : memref<128x16000xf32, #tpu.memory_space<hbm>> -> memref<1x128xf32, #tpu.memory_space<hbm>>
      %parallel_loop3A_236 = tpu.memref_squeeze %parallel_loop3A_235 : memref<1x128xf32, #tpu.memory_space<hbm>> -> memref<128xf32, #tpu.memory_space<hbm>>
      tpu.enqueue_dma source(%parallel_loop3A_236 : memref<128xf32, #tpu.memory_space<hbm>>) target(%parallel_loop3A_234 : memref<128xf32, #tpu.memory_space<vmem>>) target_semaphore(%arg13 : memref<!tpu.dma_semaphore, #tpu.memory_space<semaphore_mem>>)
    } {sc.loop_unroll_factor = 4 : i64, sc.parallel_access}
    %mul3A_104 = arith.constant 4 : i32
    %mul3A_105 = arith.muli %add3A, %mul3A_104 : i32
    %add3A_106 = arith.constant 2 : i32
    %add3A_107 = arith.addi %mul3A_105, %add3A_106 : i32
    %dma_wait3A_108 = arith.constant 0 : i32
    %dma_wait3A_109 = arith.constant 1664 : i32
    %dma_wait3A_110 = tpu.memref_slice %arg5[%dma_wait3A_108, %dma_wait3A_109] : memref<1x19328xf32, #tpu.memory_space<vmem>> -> memref<1x16000xf32, #tpu.memory_space<vmem>>
    %dma_wait3A_111 = tpu.memref_squeeze %dma_wait3A_110 : memref<1x16000xf32, #tpu.memory_space<vmem>> -> memref<16000xf32, #tpu.memory_space<vmem>>
    %dma_wait3A_112 = arith.constant 0 : i32
    %dma_wait3A_113 = tpu.memref_slice %arg2[%add3A_107, %dma_wait3A_112] : memref<128x16000xf32, #tpu.memory_space<hbm>> -> memref<1x16000xf32, #tpu.memory_space<hbm>>
    %dma_wait3A_114 = tpu.memref_squeeze %dma_wait3A_113 : memref<1x16000xf32, #tpu.memory_space<hbm>> -> memref<16000xf32, #tpu.memory_space<hbm>>
    %dma_wait3A_115 = arith.constant 1664 : i32
    %dma_wait3A_116 = tpu.memref_slice %arg5[%dma_wait3A_108, %dma_wait3A_115] : memref<1x19328xf32, #tpu.memory_space<vmem>> -> memref<1x16000xf32, #tpu.memory_space<vmem>>
    %dma_wait3A_117 = tpu.memref_squeeze %dma_wait3A_116 : memref<1x16000xf32, #tpu.memory_space<vmem>> -> memref<16000xf32, #tpu.memory_space<vmem>>
    %dma_wait3A_118 = arith.constant 0 : i32
    %dma_wait3A_119 = tpu.memref_slice %arg2[%add3A_107, %dma_wait3A_118] : memref<128x16000xf32, #tpu.memory_space<hbm>> -> memref<1x16000xf32, #tpu.memory_space<hbm>>
    %dma_wait3A_120 = tpu.memref_squeeze %dma_wait3A_119 : memref<1x16000xf32, #tpu.memory_space<hbm>> -> memref<16000xf32, #tpu.memory_space<hbm>>
    tpu.wait_dma2 semaphore(%arg12 : memref<!tpu.dma_semaphore, #tpu.memory_space<semaphore_mem>>) src(%dma_wait3A_120 : memref<16000xf32, #tpu.memory_space<hbm>>) dst(%dma_wait3A_117 : memref<16000xf32, #tpu.memory_space<vmem>>)
    %parallel_loop3A_121 = arith.constant 0 : i32
    %parallel_loop3A_122 = arith.constant 1000 : i32
    %parallel_loop3A_123 = arith.constant 1 : i32
    scf.for %parallel_loop3A_218 = %parallel_loop3A_121 to %parallel_loop3A_122 step %parallel_loop3A_123  : i32 {
      %parallel_loop3A_219 = arith.constant 16 : i32
      %parallel_loop3A_220 = arith.muli %parallel_loop3A_218, %parallel_loop3A_219 : i32
      %parallel_loop3A_221 = arith.addi %sub3A_41, %parallel_loop3A_220 : i32
      %parallel_loop3A_222 = arith.constant 0 : i32
      %parallel_loop3A_223 = arith.index_cast %parallel_loop3A_222 : i32 to index
      %parallel_loop3A_224 = arith.index_cast %parallel_loop3A_221 : i32 to index
      %parallel_loop3A_225 = tpu.vector_load %arg5[%parallel_loop3A_223, %parallel_loop3A_224] {strides = array<i32>} : memref<1x19328xf32, #tpu.memory_space<vmem>>, vector<1x16xf32>,
      %parallel_loop3A_226 = vector.shape_cast %parallel_loop3A_225 : vector<1x16xf32> to vector<16xf32>
      %parallel_loop3A_227 = arith.constant 16 : i32
      %parallel_loop3A_228 = arith.muli %parallel_loop3A_218, %parallel_loop3A_227 : i32
      %parallel_loop3A_229 = arith.constant 0 : i32
      %parallel_loop3A_230 = arith.index_cast %parallel_loop3A_229 : i32 to index
      %parallel_loop3A_231 = arith.index_cast %parallel_loop3A_228 : i32 to index
      %parallel_loop3A_232 = tpu.vector_load %arg9[%parallel_loop3A_230, %parallel_loop3A_231] {strides = array<i32>} : memref<1x16000xf32, #tpu.memory_space<vmem>>, vector<1x16xf32>,
      %parallel_loop3A_233 = vector.shape_cast %parallel_loop3A_232 : vector<1x16xf32> to vector<16xf32>
      %parallel_loop3A_234 = vector.shape_cast %parallel_loop3A_226 : vector<16xf32> to vector<1x16xf32>
      tpu.vector_store %arg9[%parallel_loop3A_230, %parallel_loop3A_231], %parallel_loop3A_234 {strides = array<i32>} : memref<1x16000xf32, #tpu.memory_space<vmem>>, vector<1x16xf32>,
    } {sc.loop_unroll_factor = 8 : i64, sc.parallel_access}
    %parallel_loop3A_124 = arith.constant 0 : i32
    %parallel_loop3A_125 = arith.constant 125 : i32
    %parallel_loop3A_126 = arith.constant 1 : i32
    scf.for %parallel_loop3A_218 = %parallel_loop3A_124 to %parallel_loop3A_125 step %parallel_loop3A_126  : i32 {
      %parallel_loop3A_219 = arith.constant 4 : i32
      %parallel_loop3A_220 = arith.muli %add3A, %parallel_loop3A_219 : i32
      %parallel_loop3A_221 = arith.constant 2 : i32
      %parallel_loop3A_222 = arith.addi %parallel_loop3A_220, %parallel_loop3A_221 : i32
      %parallel_loop3A_223 = arith.constant 128 : i32
      %parallel_loop3A_224 = arith.muli %parallel_loop3A_218, %parallel_loop3A_223 : i32
      %parallel_loop3A_225 = tpu.assume_multiple %parallel_loop3A_224, 128 : i32
      %parallel_loop3A_226 = arith.constant 0 : i32
      %parallel_loop3A_227 = tpu.memref_slice %arg9[%parallel_loop3A_226, %parallel_loop3A_225] : memref<1x16000xf32, #tpu.memory_space<vmem>> -> memref<1x128xf32, #tpu.memory_space<vmem>>
      %parallel_loop3A_228 = tpu.memref_squeeze %parallel_loop3A_227 : memref<1x128xf32, #tpu.memory_space<vmem>> -> memref<128xf32, #tpu.memory_space<vmem>>
      %parallel_loop3A_229 = tpu.memref_slice %arg4[%parallel_loop3A_222, %parallel_loop3A_225] : memref<128x16000xf32, #tpu.memory_space<hbm>> -> memref<1x128xf32, #tpu.memory_space<hbm>>
      %parallel_loop3A_230 = tpu.memref_squeeze %parallel_loop3A_229 : memref<1x128xf32, #tpu.memory_space<hbm>> -> memref<128xf32, #tpu.memory_space<hbm>>
      %parallel_loop3A_231 = tpu.memref_slice %arg4[%parallel_loop3A_222, %parallel_loop3A_225] : memref<128x16000xf32, #tpu.memory_space<hbm>> -> memref<1x128xf32, #tpu.memory_space<hbm>>
      %parallel_loop3A_232 = tpu.memref_squeeze %parallel_loop3A_231 : memref<1x128xf32, #tpu.memory_space<hbm>> -> memref<128xf32, #tpu.memory_space<hbm>>
      %parallel_loop3A_233 = tpu.memref_slice %arg9[%parallel_loop3A_226, %parallel_loop3A_225] : memref<1x16000xf32, #tpu.memory_space<vmem>> -> memref<1x128xf32, #tpu.memory_space<vmem>>
      %parallel_loop3A_234 = tpu.memref_squeeze %parallel_loop3A_233 : memref<1x128xf32, #tpu.memory_space<vmem>> -> memref<128xf32, #tpu.memory_space<vmem>>
      tpu.enqueue_dma source(%parallel_loop3A_234 : memref<128xf32, #tpu.memory_space<vmem>>) target(%parallel_loop3A_232 : memref<128xf32, #tpu.memory_space<hbm>>) target_semaphore(%arg16 : memref<!tpu.dma_semaphore, #tpu.memory_space<semaphore_mem>>)
    } {sc.loop_unroll_factor = 4 : i64, sc.parallel_access}
    %mul3A_127 = arith.constant 4 : i32
    %mul3A_128 = arith.muli %add3A, %mul3A_127 : i32
    %add3A_129 = arith.constant 3 : i32
    %add3A_130 = arith.addi %mul3A_128, %add3A_129 : i32
    %dma_wait3A_131 = arith.constant 0 : i32
    %dma_wait3A_132 = arith.constant 1664 : i32
    %dma_wait3A_133 = tpu.memref_slice %arg6[%dma_wait3A_131, %dma_wait3A_132] : memref<1x19328xf32, #tpu.memory_space<vmem>> -> memref<1x16000xf32, #tpu.memory_space<vmem>>
    %dma_wait3A_134 = tpu.memref_squeeze %dma_wait3A_133 : memref<1x16000xf32, #tpu.memory_space<vmem>> -> memref<16000xf32, #tpu.memory_space<vmem>>
    %dma_wait3A_135 = arith.constant 0 : i32
    %dma_wait3A_136 = tpu.memref_slice %arg2[%add3A_130, %dma_wait3A_135] : memref<128x16000xf32, #tpu.memory_space<hbm>> -> memref<1x16000xf32, #tpu.memory_space<hbm>>
    %dma_wait3A_137 = tpu.memref_squeeze %dma_wait3A_136 : memref<1x16000xf32, #tpu.memory_space<hbm>> -> memref<16000xf32, #tpu.memory_space<hbm>>
    %dma_wait3A_138 = arith.constant 1664 : i32
    %dma_wait3A_139 = tpu.memref_slice %arg6[%dma_wait3A_131, %dma_wait3A_138] : memref<1x19328xf32, #tpu.memory_space<vmem>> -> memref<1x16000xf32, #tpu.memory_space<vmem>>
    %dma_wait3A_140 = tpu.memref_squeeze %dma_wait3A_139 : memref<1x16000xf32, #tpu.memory_space<vmem>> -> memref<16000xf32, #tpu.memory_space<vmem>>
    %dma_wait3A_141 = arith.constant 0 : i32
    %dma_wait3A_142 = tpu.memref_slice %arg2[%add3A_130, %dma_wait3A_141] : memref<128x16000xf32, #tpu.memory_space<hbm>> -> memref<1x16000xf32, #tpu.memory_space<hbm>>
    %dma_wait3A_143 = tpu.memref_squeeze %dma_wait3A_142 : memref<1x16000xf32, #tpu.memory_space<hbm>> -> memref<16000xf32, #tpu.memory_space<hbm>>
    tpu.wait_dma2 semaphore(%arg13 : memref<!tpu.dma_semaphore, #tpu.memory_space<semaphore_mem>>) src(%dma_wait3A_143 : memref<16000xf32, #tpu.memory_space<hbm>>) dst(%dma_wait3A_140 : memref<16000xf32, #tpu.memory_space<vmem>>)
    %parallel_loop3A_144 = arith.constant 0 : i32
    %parallel_loop3A_145 = arith.constant 1000 : i32
    %parallel_loop3A_146 = arith.constant 1 : i32
    scf.for %parallel_loop3A_218 = %parallel_loop3A_144 to %parallel_loop3A_145 step %parallel_loop3A_146  : i32 {
      %parallel_loop3A_219 = arith.constant 16 : i32
      %parallel_loop3A_220 = arith.muli %parallel_loop3A_218, %parallel_loop3A_219 : i32
      %parallel_loop3A_221 = arith.addi %sub3A_52, %parallel_loop3A_220 : i32
      %parallel_loop3A_222 = arith.constant 0 : i32
      %parallel_loop3A_223 = arith.index_cast %parallel_loop3A_222 : i32 to index
      %parallel_loop3A_224 = arith.index_cast %parallel_loop3A_221 : i32 to index
      %parallel_loop3A_225 = tpu.vector_load %arg6[%parallel_loop3A_223, %parallel_loop3A_224] {strides = array<i32>} : memref<1x19328xf32, #tpu.memory_space<vmem>>, vector<1x16xf32>,
      %parallel_loop3A_226 = vector.shape_cast %parallel_loop3A_225 : vector<1x16xf32> to vector<16xf32>
      %parallel_loop3A_227 = arith.constant 16 : i32
      %parallel_loop3A_228 = arith.muli %parallel_loop3A_218, %parallel_loop3A_227 : i32
      %parallel_loop3A_229 = arith.constant 0 : i32
      %parallel_loop3A_230 = arith.index_cast %parallel_loop3A_229 : i32 to index
      %parallel_loop3A_231 = arith.index_cast %parallel_loop3A_228 : i32 to index
      %parallel_loop3A_232 = tpu.vector_load %arg10[%parallel_loop3A_230, %parallel_loop3A_231] {strides = array<i32>} : memref<1x16000xf32, #tpu.memory_space<vmem>>, vector<1x16xf32>,
      %parallel_loop3A_233 = vector.shape_cast %parallel_loop3A_232 : vector<1x16xf32> to vector<16xf32>
      %parallel_loop3A_234 = vector.shape_cast %parallel_loop3A_226 : vector<16xf32> to vector<1x16xf32>
      tpu.vector_store %arg10[%parallel_loop3A_230, %parallel_loop3A_231], %parallel_loop3A_234 {strides = array<i32>} : memref<1x16000xf32, #tpu.memory_space<vmem>>, vector<1x16xf32>,
    } {sc.loop_unroll_factor = 8 : i64, sc.parallel_access}
    %parallel_loop3A_147 = arith.constant 0 : i32
    %parallel_loop3A_148 = arith.constant 125 : i32
    %parallel_loop3A_149 = arith.constant 1 : i32
    scf.for %parallel_loop3A_218 = %parallel_loop3A_147 to %parallel_loop3A_148 step %parallel_loop3A_149  : i32 {
      %parallel_loop3A_219 = arith.constant 4 : i32
      %parallel_loop3A_220 = arith.muli %add3A, %parallel_loop3A_219 : i32
      %parallel_loop3A_221 = arith.constant 3 : i32
      %parallel_loop3A_222 = arith.addi %parallel_loop3A_220, %parallel_loop3A_221 : i32
      %parallel_loop3A_223 = arith.constant 128 : i32
      %parallel_loop3A_224 = arith.muli %parallel_loop3A_218, %parallel_loop3A_223 : i32
      %parallel_loop3A_225 = tpu.assume_multiple %parallel_loop3A_224, 128 : i32
      %parallel_loop3A_226 = arith.constant 0 : i32
      %parallel_loop3A_227 = tpu.memref_slice %arg10[%parallel_loop3A_226, %parallel_loop3A_225] : memref<1x16000xf32, #tpu.memory_space<vmem>> -> memref<1x128xf32, #tpu.memory_space<vmem>>
      %parallel_loop3A_228 = tpu.memref_squeeze %parallel_loop3A_227 : memref<1x128xf32, #tpu.memory_space<vmem>> -> memref<128xf32, #tpu.memory_space<vmem>>
      %parallel_loop3A_229 = tpu.memref_slice %arg4[%parallel_loop3A_222, %parallel_loop3A_225] : memref<128x16000xf32, #tpu.memory_space<hbm>> -> memref<1x128xf32, #tpu.memory_space<hbm>>
      %parallel_loop3A_230 = tpu.memref_squeeze %parallel_loop3A_229 : memref<1x128xf32, #tpu.memory_space<hbm>> -> memref<128xf32, #tpu.memory_space<hbm>>
      %parallel_loop3A_231 = tpu.memref_slice %arg4[%parallel_loop3A_222, %parallel_loop3A_225] : memref<128x16000xf32, #tpu.memory_space<hbm>> -> memref<1x128xf32, #tpu.memory_space<hbm>>
      %parallel_loop3A_232 = tpu.memref_squeeze %parallel_loop3A_231 : memref<1x128xf32, #tpu.memory_space<hbm>> -> memref<128xf32, #tpu.memory_space<hbm>>
      %parallel_loop3A_233 = tpu.memref_slice %arg10[%parallel_loop3A_226, %parallel_loop3A_225] : memref<1x16000xf32, #tpu.memory_space<vmem>> -> memref<1x128xf32, #tpu.memory_space<vmem>>
      %parallel_loop3A_234 = tpu.memref_squeeze %parallel_loop3A_233 : memref<1x128xf32, #tpu.memory_space<vmem>> -> memref<128xf32, #tpu.memory_space<vmem>>
      tpu.enqueue_dma source(%parallel_loop3A_234 : memref<128xf32, #tpu.memory_space<vmem>>) target(%parallel_loop3A_232 : memref<128xf32, #tpu.memory_space<hbm>>) target_semaphore(%arg17 : memref<!tpu.dma_semaphore, #tpu.memory_space<semaphore_mem>>)
    } {sc.loop_unroll_factor = 4 : i64, sc.parallel_access}
    %mul3A_150 = arith.constant 4 : i32
    %mul3A_151 = arith.muli %add3A, %mul3A_150 : i32
    %add3A_152 = arith.constant 0 : i32
    %add3A_153 = arith.addi %mul3A_151, %add3A_152 : i32
    %dma_wait3A_154 = arith.constant 0 : i32
    %dma_wait3A_155 = arith.constant 0 : i32
    %dma_wait3A_156 = tpu.memref_slice %arg7[%dma_wait3A_154, %dma_wait3A_155] : memref<1x16000xf32, #tpu.memory_space<vmem>> -> memref<1x16000xf32, #tpu.memory_space<vmem>>
    %dma_wait3A_157 = tpu.memref_squeeze %dma_wait3A_156 : memref<1x16000xf32, #tpu.memory_space<vmem>> -> memref<16000xf32, #tpu.memory_space<vmem>>
    %dma_wait3A_158 = arith.constant 0 : i32
    %dma_wait3A_159 = tpu.memref_slice %arg4[%add3A_153, %dma_wait3A_158] : memref<128x16000xf32, #tpu.memory_space<hbm>> -> memref<1x16000xf32, #tpu.memory_space<hbm>>
    %dma_wait3A_160 = tpu.memref_squeeze %dma_wait3A_159 : memref<1x16000xf32, #tpu.memory_space<hbm>> -> memref<16000xf32, #tpu.memory_space<hbm>>
    %dma_wait3A_161 = arith.constant 0 : i32
    %dma_wait3A_162 = tpu.memref_slice %arg4[%add3A_153, %dma_wait3A_161] : memref<128x16000xf32, #tpu.memory_space<hbm>> -> memref<1x16000xf32, #tpu.memory_space<hbm>>
    %dma_wait3A_163 = tpu.memref_squeeze %dma_wait3A_162 : memref<1x16000xf32, #tpu.memory_space<hbm>> -> memref<16000xf32, #tpu.memory_space<hbm>>
    %dma_wait3A_164 = arith.constant 0 : i32
    %dma_wait3A_165 = tpu.memref_slice %arg7[%dma_wait3A_154, %dma_wait3A_164] : memref<1x16000xf32, #tpu.memory_space<vmem>> -> memref<1x16000xf32, #tpu.memory_space<vmem>>
    %dma_wait3A_166 = tpu.memref_squeeze %dma_wait3A_165 : memref<1x16000xf32, #tpu.memory_space<vmem>> -> memref<16000xf32, #tpu.memory_space<vmem>>
    tpu.wait_dma2 semaphore(%arg14 : memref<!tpu.dma_semaphore, #tpu.memory_space<semaphore_mem>>) src(%dma_wait3A_166 : memref<16000xf32, #tpu.memory_space<vmem>>) dst(%dma_wait3A_163 : memref<16000xf32, #tpu.memory_space<hbm>>)
    %mul3A_167 = arith.constant 4 : i32
    %mul3A_168 = arith.muli %add3A, %mul3A_167 : i32
    %add3A_169 = arith.constant 1 : i32
    %add3A_170 = arith.addi %mul3A_168, %add3A_169 : i32
    %dma_wait3A_171 = arith.constant 0 : i32
    %dma_wait3A_172 = arith.constant 0 : i32
    %dma_wait3A_173 = tpu.memref_slice %arg8[%dma_wait3A_171, %dma_wait3A_172] : memref<1x16000xf32, #tpu.memory_space<vmem>> -> memref<1x16000xf32, #tpu.memory_space<vmem>>
    %dma_wait3A_174 = tpu.memref_squeeze %dma_wait3A_173 : memref<1x16000xf32, #tpu.memory_space<vmem>> -> memref<16000xf32, #tpu.memory_space<vmem>>
    %dma_wait3A_175 = arith.constant 0 : i32
    %dma_wait3A_176 = tpu.memref_slice %arg4[%add3A_170, %dma_wait3A_175] : memref<128x16000xf32, #tpu.memory_space<hbm>> -> memref<1x16000xf32, #tpu.memory_space<hbm>>
    %dma_wait3A_177 = tpu.memref_squeeze %dma_wait3A_176 : memref<1x16000xf32, #tpu.memory_space<hbm>> -> memref<16000xf32, #tpu.memory_space<hbm>>
    %dma_wait3A_178 = arith.constant 0 : i32
    %dma_wait3A_179 = tpu.memref_slice %arg4[%add3A_170, %dma_wait3A_178] : memref<128x16000xf32, #tpu.memory_space<hbm>> -> memref<1x16000xf32, #tpu.memory_space<hbm>>
    %dma_wait3A_180 = tpu.memref_squeeze %dma_wait3A_179 : memref<1x16000xf32, #tpu.memory_space<hbm>> -> memref<16000xf32, #tpu.memory_space<hbm>>
    %dma_wait3A_181 = arith.constant 0 : i32
    %dma_wait3A_182 = tpu.memref_slice %arg8[%dma_wait3A_171, %dma_wait3A_181] : memref<1x16000xf32, #tpu.memory_space<vmem>> -> memref<1x16000xf32, #tpu.memory_space<vmem>>
    %dma_wait3A_183 = tpu.memref_squeeze %dma_wait3A_182 : memref<1x16000xf32, #tpu.memory_space<vmem>> -> memref<16000xf32, #tpu.memory_space<vmem>>
    tpu.wait_dma2 semaphore(%arg15 : memref<!tpu.dma_semaphore, #tpu.memory_space<semaphore_mem>>) src(%dma_wait3A_183 : memref<16000xf32, #tpu.memory_space<vmem>>) dst(%dma_wait3A_180 : memref<16000xf32, #tpu.memory_space<hbm>>)
    %mul3A_184 = arith.constant 4 : i32
    %mul3A_185 = arith.muli %add3A, %mul3A_184 : i32
    %add3A_186 = arith.constant 2 : i32
    %add3A_187 = arith.addi %mul3A_185, %add3A_186 : i32
    %dma_wait3A_188 = arith.constant 0 : i32
    %dma_wait3A_189 = arith.constant 0 : i32
    %dma_wait3A_190 = tpu.memref_slice %arg9[%dma_wait3A_188, %dma_wait3A_189] : memref<1x16000xf32, #tpu.memory_space<vmem>> -> memref<1x16000xf32, #tpu.memory_space<vmem>>
    %dma_wait3A_191 = tpu.memref_squeeze %dma_wait3A_190 : memref<1x16000xf32, #tpu.memory_space<vmem>> -> memref<16000xf32, #tpu.memory_space<vmem>>
    %dma_wait3A_192 = arith.constant 0 : i32
    %dma_wait3A_193 = tpu.memref_slice %arg4[%add3A_187, %dma_wait3A_192] : memref<128x16000xf32, #tpu.memory_space<hbm>> -> memref<1x16000xf32, #tpu.memory_space<hbm>>
    %dma_wait3A_194 = tpu.memref_squeeze %dma_wait3A_193 : memref<1x16000xf32, #tpu.memory_space<hbm>> -> memref<16000xf32, #tpu.memory_space<hbm>>
    %dma_wait3A_195 = arith.constant 0 : i32
    %dma_wait3A_196 = tpu.memref_slice %arg4[%add3A_187, %dma_wait3A_195] : memref<128x16000xf32, #tpu.memory_space<hbm>> -> memref<1x16000xf32, #tpu.memory_space<hbm>>
    %dma_wait3A_197 = tpu.memref_squeeze %dma_wait3A_196 : memref<1x16000xf32, #tpu.memory_space<hbm>> -> memref<16000xf32, #tpu.memory_space<hbm>>
    %dma_wait3A_198 = arith.constant 0 : i32
    %dma_wait3A_199 = tpu.memref_slice %arg9[%dma_wait3A_188, %dma_wait3A_198] : memref<1x16000xf32, #tpu.memory_space<vmem>> -> memref<1x16000xf32, #tpu.memory_space<vmem>>
    %dma_wait3A_200 = tpu.memref_squeeze %dma_wait3A_199 : memref<1x16000xf32, #tpu.memory_space<vmem>> -> memref<16000xf32, #tpu.memory_space<vmem>>
    tpu.wait_dma2 semaphore(%arg16 : memref<!tpu.dma_semaphore, #tpu.memory_space<semaphore_mem>>) src(%dma_wait3A_200 : memref<16000xf32, #tpu.memory_space<vmem>>) dst(%dma_wait3A_197 : memref<16000xf32, #tpu.memory_space<hbm>>)
    %mul3A_201 = arith.constant 4 : i32
    %mul3A_202 = arith.muli %add3A, %mul3A_201 : i32
    %add3A_203 = arith.constant 3 : i32
    %add3A_204 = arith.addi %mul3A_202, %add3A_203 : i32
    %dma_wait3A_205 = arith.constant 0 : i32
    %dma_wait3A_206 = arith.constant 0 : i32
    %dma_wait3A_207 = tpu.memref_slice %arg10[%dma_wait3A_205, %dma_wait3A_206] : memref<1x16000xf32, #tpu.memory_space<vmem>> -> memref<1x16000xf32, #tpu.memory_space<vmem>>
    %dma_wait3A_208 = tpu.memref_squeeze %dma_wait3A_207 : memref<1x16000xf32, #tpu.memory_space<vmem>> -> memref<16000xf32, #tpu.memory_space<vmem>>
    %dma_wait3A_209 = arith.constant 0 : i32
    %dma_wait3A_210 = tpu.memref_slice %arg4[%add3A_204, %dma_wait3A_209] : memref<128x16000xf32, #tpu.memory_space<hbm>> -> memref<1x16000xf32, #tpu.memory_space<hbm>>
    %dma_wait3A_211 = tpu.memref_squeeze %dma_wait3A_210 : memref<1x16000xf32, #tpu.memory_space<hbm>> -> memref<16000xf32, #tpu.memory_space<hbm>>
    %dma_wait3A_212 = arith.constant 0 : i32
    %dma_wait3A_213 = tpu.memref_slice %arg4[%add3A_204, %dma_wait3A_212] : memref<128x16000xf32, #tpu.memory_space<hbm>> -> memref<1x16000xf32, #tpu.memory_space<hbm>>
    %dma_wait3A_214 = tpu.memref_squeeze %dma_wait3A_213 : memref<1x16000xf32, #tpu.memory_space<hbm>> -> memref<16000xf32, #tpu.memory_space<hbm>>
    %dma_wait3A_215 = arith.constant 0 : i32
    %dma_wait3A_216 = tpu.memref_slice %arg10[%dma_wait3A_205, %dma_wait3A_215] : memref<1x16000xf32, #tpu.memory_space<vmem>> -> memref<1x16000xf32, #tpu.memory_space<vmem>>
    %dma_wait3A_217 = tpu.memref_squeeze %dma_wait3A_216 : memref<1x16000xf32, #tpu.memory_space<vmem>> -> memref<16000xf32, #tpu.memory_space<vmem>>
    tpu.wait_dma2 semaphore(%arg17 : memref<!tpu.dma_semaphore, #tpu.memory_space<semaphore_mem>>) src(%dma_wait3A_217 : memref<16000xf32, #tpu.memory_space<vmem>>) dst(%dma_wait3A_214 : memref<16000xf32, #tpu.memory_space<hbm>>)
    return
  }
}

</mosaic_0001>

<sc_bundles>
// kernel: kernel.3.cloned.1.call-start
scs
__scs_entry_jumppad:
0x0: {  	(pc) =	sbr.rel $0x88, $3  }
0x1: {  	(tag) =	ssettag $0x0;
	lr =	simm.s32 $0x1  }
0x2: {  	[smem:$0x3F9F] =	sst lr;
	_ =	strace $0xD0000000  }
0x3: {  	_ = 	snop  }
0x4: {  	_ = 	snop  }
0x5: {  	_ = 	snop  }
0x6: {  	_ = 	snop  }
0x7: {  	_ = 	snop  }
__scs_overlays_trampoline_lowered:
0x8: {  	[smem:$0x3FAE] =	sst s0  }
0x9: {  	[smem:$0x3FAF] =	sst s1  }
0xa: {  	[smem:$0x3FB0] =	sst s2  }
0xb: {  	[smem:$0x3FB1] =	sst s3  }
0xc: {  	[smem:$0x3FB2] =	sst s4  }
0xd: {  	[smem:$0x3FB3] =	sst s5  }
0xe: {  	[smem:$0x3FB4] =	sst s6  }
0xf: {  	[smem:$0x3FB5] =	sst s7  }
0x10: {  	[smem:$0x3FB6] =	sst s8  }
0x11: {  	[smem:$0x3FB7] =	sst s9;
	s0 =	simm.s32 @!p0 $0x0  }
0x12: {  	s1 =	sld [smem:$0x3F9D];
	s0 =	simm.s32 @p0 $0x1  }
0x13: {  	[smem:$0x3FB8] =	sst s0;
	s0 =	simm.s32 @!p1 $0x0  }
0x14: {  	s2 =	sld [smem:$0x3F9C];
	s0 =	simm.s32 @p1 $0x1  }
0x15: {  	[smem:$0x3FB9] =	sst s0;
	s0 =	simm.s32 @!p2 $0x0  }
0x16: {  	s3 =	sld [smem:$0x3FDB];
	s0 =	simm.s32 @p2 $0x1  }
0x17: {  	s4 =	simm.s32 $0x1BF5;
	[smem:$0x3FBB] =	sst s0  }
0x18: {  	s0 =	sld [smem:$0x3F9E];
	_ =	swait.ge [sflag:s4], $0x0  }
0x19: {  	s7 =	sld [smem:$0x3F9F]  }
0x1a: {  	s8 =	sadd.s32 $0xFFFFE003, lr  }
0x1b: {  	s9 =	sadd.s32 $0xFFFFFEF7, lr;
	s5 =	simm.s32 $0xFFFFFFFF;
	p2 =	slt.u32 s8, $0xFFFFF086  }
0x1c: {  	p1 =	slt.u32 s9, $0xF7A;
	s5 =	simm.s32 @!p2 $0x0  }
0x1d: {  	s5 =	simm.s32 @p1 $0x1;
	p0 =	seq.s32 s7, s2  }
0x1e: {  	s7 =	smul.u32 @!p0 $0xF7A, s2;
	p2 =	seq.s32 @!p0 s5, $0x0  }
0x1f: {  	s9 =	smul.u32 $0xF7A, s1;
	s8 =	simm.s32 @!p0 $0x1BF5;
	p2 =	por !p2, p0  }
0x20: {  	[sflag:s8] =	ssyncset.s32 @!p0 $0xFFFFF086;
	s6 =	sadd.s32 @!p0 s3, s7;
	s7 =	simm.s32 @!p0 $0x108  }
0x21: {  	s3 =	sadd.s32 s3, s9;
	s6 =	sadd.s32 @!p0 $0x88, s6;
	s7 =	simm.s32 @p2 $0x1082  }
0x22: {  	[simem:s7], [sflag:s8] =	dma.local @!p0 [hbm:s6], $0xF7A  }
0x23: {  	s9 =	sor.u32 $0xD0000000, s2;
	s6 =	simm.s32 $0x108;
	_ =	swait.ge @!p0 [sflag:s8], $0x0  }
0x24: {  	s3 =	sadd.s32 $0x88, s3;
	s6 =	simm.s32 @!p1 $0x1082;
	[sflag:s4] =	ssyncset.s32 $0xFFFFF086  }
0x25: {  	[simem:s6], [sflag:s4] =	dma.local [hbm:s3], $0xF7A  }
0x26: {  	[smem:$0x3F9F] =	sst s1;
	(tag) =	ssettag s2;
	_ =	strace s9  }
0x27: {  	s1 =	sld [smem:$0x3FAF]  }
0x28: {  	s2 =	sld [smem:$0x3FB0]  }
0x29: {  	s4 =	sld [smem:$0x3FB2]  }
0x2a: {  	p0 =	seq.s32 s5, $0x0;
	s5 =	sld [smem:$0x3FB3]  }
0x2b: {  	s6 =	sld [smem:$0x3FB4]  }
0x2c: {  	s7 =	sld [smem:$0x3FB5]  }
0x2d: {  	s3 =	simm.s32 $0x108;
	s8 =	sld [smem:$0x3FB6]  }
0x2e: {  	s3 =	simm.s32 @!p0 $0x1082;
	s9 =	sld [smem:$0x3FB7]  }
0x2f: {  	lr =	sadd.s32 s0, s3;
	s0 =	sld [smem:$0x3FAE]  }
0x30: {  	s3 =	sld [smem:$0x3FB1]  }
0x31: {  	[smem:$0x3FBA] =	sst s10  }
0x32: {  	s10 =	sld [smem:$0x3FB8];
	_ =	sdelay $0x3  }
0x33: {  	p0 =	seq.s32 s10, $0x1;
	s10 =	sld [smem:$0x3FBA];
	_ =	sdelay $0x3  }
0x34: {  	[smem:$0x3FBA] =	sst s10  }
0x35: {  	s10 =	sld [smem:$0x3FB9];
	_ =	sdelay $0x3  }
0x36: {  	p1 =	seq.s32 s10, $0x1;
	s10 =	sld [smem:$0x3FBA];
	_ =	sdelay $0x3  }
0x37: {  	[smem:$0x3FBA] =	sst s10  }
0x38: {  	s10 =	sld [smem:$0x3FBB]  }
0x39: {  	_ = 	snop;
	(pc) =	sbr.ind lr, $3  }
0x3a: {  	_ = 	snop  }
0x3b: {  	_ = 	snop  }
0x3c: {  	p2 =	seq.s32 s10, $0x1;
	s10 =	sld [smem:$0x3FBA]  }
0x3d: {  	_ =	shalt  }
0x3e: {  	_ =	shalt  }
0x3f: {  	_ =	shalt  }
0x40: {  	_ =	shalt  }
0x41: {  	_ =	shalt  }
0x42: {  	_ =	shalt  }
0x43: {  	_ =	shalt  }
0x44: {  	_ =	shalt  }
0x45: {  	_ =	shalt  }
0x46: {  	_ =	shalt  }
0x47: {  	_ =	shalt  }
0x48: {  	_ =	shalt  }
0x49: {  	_ =	shalt  }
0x4a: {  	_ =	shalt  }
0x4b: {  	_ =	shalt  }
0x4c: {  	_ =	shalt  }
0x4d: {  	_ =	shalt  }
0x4e: {  	_ =	shalt  }
0x4f: {  	_ =	shalt  }
0x50: {  	_ =	shalt  }
0x51: {  	_ =	shalt  }
0x52: {  	_ =	shalt  }
0x53: {  	_ =	shalt  }
0x54: {  	_ =	shalt  }
0x55: {  	_ =	shalt  }
0x56: {  	_ =	shalt  }
0x57: {  	_ =	shalt  }
0x58: {  	_ =	shalt  }
0x59: {  	_ =	shalt  }
0x5a: {  	_ =	shalt  }
0x5b: {  	_ =	shalt  }
0x5c: {  	_ =	shalt  }
0x5d: {  	_ =	shalt  }
0x5e: {  	_ =	shalt  }
0x5f: {  	_ =	shalt  }
0x60: {  	_ =	shalt  }
0x61: {  	_ =	shalt  }
0x62: {  	_ =	shalt  }
0x63: {  	_ =	shalt  }
0x64: {  	_ =	shalt  }
0x65: {  	_ =	shalt  }
0x66: {  	_ =	shalt  }
0x67: {  	_ =	shalt  }
0x68: {  	_ =	shalt  }
0x69: {  	_ =	shalt  }
0x6a: {  	_ =	shalt  }
0x6b: {  	_ =	shalt  }
0x6c: {  	_ =	shalt  }
0x6d: {  	_ =	shalt  }
0x6e: {  	_ =	shalt  }
0x6f: {  	_ =	shalt  }
0x70: {  	_ =	shalt  }
0x71: {  	_ =	shalt  }
0x72: {  	_ =	shalt  }
0x73: {  	_ =	shalt  }
0x74: {  	_ =	shalt  }
0x75: {  	_ =	shalt  }
0x76: {  	_ =	shalt  }
0x77: {  	_ =	shalt  }
0x78: {  	_ =	shalt  }
0x79: {  	_ =	shalt  }
0x7a: {  	_ =	shalt  }
0x7b: {  	_ =	shalt  }
0x7c: {  	_ =	shalt  }
0x7d: {  	_ =	shalt  }
0x7e: {  	_ =	shalt  }
0x7f: {  	_ =	shalt  }
0x80: {  	_ =	shalt  }
0x81: {  	_ =	shalt  }
0x82: {  	_ =	shalt  }
0x83: {  	_ =	shalt  }
0x84: {  	_ =	shalt  }
0x85: {  	_ =	shalt  }
0x86: {  	_ =	shalt  }
0x87: {  	_ =	shalt  }
.Lfunc_end0:
.L_simem_size_0:
called_computation_lowered:
.L_overlay_start_0:
0x88: {  	s2 =	sld [smem:$0x3FD9]  }
0x89: {  	s3 =	sld [smem:$0x3FFE];
	_ =	sdelay $0x1  }
0x8a: {  	s1 =	srdreg.scid  }
0x8b: {  	s0 =	sand.u32 $0x1, s1  }
0x8c: {  	s18 =	sshll.u32 s0, $0xA;
	s2 =	sadd.s32 s3, s2  }
0x8d: {  	s2 =	sadd.s32 s2, s18  }
0x8e: {  	[smem:$0x3FC6] =	sst s2  }
0x8f: {  	_ = 	snop  }
0x90: {  	s2 =	sld [smem:$0x3FC9]  }
0x91: {  	s19 =	sld [smem:$0x3FC8]  }
0x92: {  	s4 =	sld [smem:$0x3FD0];
	(tm) =	ssettm $0x1  }
0x93: {  	s5 =	sld [smem:$0x3FFB];
	_ =	sdelay $0x3  }
0x94: {  	_ =	strace s5  }
0x95: {  	s5 =	sld [smem:$0x3FFC];
	_ =	sdelay $0x3  }
0x96: {  	_ =	strace s5  }
0x97: {  	s5 =	sld [smem:$0x3FFD];
	_ =	sdelay $0x3  }
0x98: {  	_ =	strace s5  }
0x99: {  	_ =	strace $0x8FFFFFFF  }
0x9a: {  	s20 =	sld [smem:$0x3FDB];
	_ =	sdelay $0x1  }
0x9b: {  	s6 =	simm.s32 $_scs_section_size  }
0x9c: {  	s7 =	simm.s32 $_size__tile_overlayer_lowered;
	s8 =	simm.s32 $_tile_overlayer_lowered  }
0x9d: {  	s23 =	simm.s32 $0x1BFF;
	s22 =	sshll.u32 s8, $0x1;
	s5 =	sadd.s32 s6, s20  }
0x9e: {  	s9 =	simm.s32 $0x0;
	s21 =	sshll.u32 s7, $0x1;
	s7 =	sadd.s32 s22, s5  }
0x9f: {  	[timem:s9], [sflag:s23] =	dma.local [hbm:s7], s21  }
0xa0: {  	_ =	swait.ge [sflag:s23], s21  }
0xa1: {  	s6 =	ssub.s32 $0x0, s21;
	[sflag:s23] =	ssyncset.done $0x0  }
0xa2: {  	[sflag:s23] =	ssyncadd.s32 s6;
	_ =	sdelay $0x1  }
0xa3: {  	s24 =	simm.s32 $0x1B8B  }
0xa4: {  	_ =	swait.ge [sflag:s24], $0x1  }
0xa5: {  	[sflag:s24] =	ssyncset.done $0x0  }
0xa6: {  	s25 =	simm.s32 $0x1B8E;
	[sflag:s24] =	ssyncadd.s32 $0xFFFFFFFF  }
0xa7: {  	s26 =	simm.s32 $execute0_lowered;
	[smem:$0x3FD2] =	sst s25  }
0xa8: {  	s6 =	sshll.u32 s26, $0x1;
	_ =	strace $0x80000046;
	[dreg:$0x1] =	wrdreg $0xFFFFFFFF  }
0xa9: {  	s28 =	simm.s32 $_size_execute0_lowered;
	s5 =	sadd.s32 s5, s6;
	[dreg:$0x0] =	wrdreg $0x0  }
0xaa: {  	s6 =	sshll.u32 s28, $0x1;
	[dreg:$0x2] =	wrdreg s5  }
0xab: {  	[dreg:$0x3] =	wrdreg s6  }
0xac: {  	[dreg:$0x4] =	wrdreg $0xC0  }
0xad: {  	_ =	task [dreg:s9], $0x5FFFF  }
0xae: {  	[dreg:$0x1] =	wrdreg $0xFFFFFFFF  }
0xaf: {  	[dreg:$0x0] =	wrdreg $0x60  }
0xb0: {  	[dreg:$0x2] =	wrdreg s2  }
0xb1: {  	[dreg:$0x3] =	wrdreg s19  }
0xb2: {  	[dreg:$0x4] =	wrdreg s4  }
0xb3: {  	[dreg:$0x5] =	wrdreg $0x9  }
0xb4: {  	_ =	task.clear_ibuf [dreg:s9], $0x6FFFF;
	_ =	strace $0x90000046  }
0xb5: {  	s29 =	simm.s32 $0x9;
	_ =	strace $0x80000048  }
0xb6: {  	_ =	swait.ge [sflag:s29], $0x1  }
0xb7: {  	[sflag:s29] =	ssyncadd.s32 $0xFFFFFFFF  }
0xb8: {  	_ =	strace $0x90000048  }
0xb9: {  	_ =	sfence  }
0xba: {  	s30 =	sld [smem:$0x0];
	_ =	sdelay $0x2  }
0xbb: {  	s31 =	sshll.u32 s1, $0xD;
	s1 =	sshrl.u32 s1, $0x2  }
0xbc: {  	s3 =	sand.u32 $0x4000, s31;
	s1 =	sadd.s32 s1, s30  }
0xbd: {  	s0 =	sor.u32 s3, s0;
	s1 =	sshll.u32 s1, $0x11  }
0xbe: {  	s0 =	sor.u32 s1, s0  }
0xbf: {  	s0 =	sadd.s32 $0x8F2B, s0  }
0xc0: {  	[sflag:s0] =	ssyncadd.remote.s32 $0x1  }
0xc1: {  	_ =	sfence.sel $0xFFFF  }
0xc2: {  	[dreg:$0x0] =	wrdreg $0xFFFFFFFF;
	(pc) =	sbr.abs _section_cstart, $3  }
0xc3: {  	[dreg:$0x1] =	wrdreg $0xFFFFFFFF  }
0xc4: {  	_ =	task.clear_ibuf [dreg:s9], $0x2FFFF;
	_ =	strace $0x9FFFFFFF  }
0xc5: {  	(tm) =	ssettm $0x7FFFFFFF  }
tec
execute0_lowered:
.L_overlay_start_1:
0x0: {  	(tag) =	ssettag $0x1  }
0x1: {  	s2 =	rddreg [dreg:$0x0]  }
0x2: {  	s14 =	rddreg [dreg:$0x2];
	s1 =	simm.s32 $0x0;
	s0 =	srdreg.scid  }
0x3: {  	s7 =	stileid.u32;
	[smem:$0x7FF] =	sst s1;
	s0 =	sand.u32 $0x1, s0  }
0x4: {  	s4 =	sshll.u32 s7, $0x3;
	s7 =	smul.u32 $0x1F400, s7;
	s3 =	ssub.s32 $0x2, s0  }
0x5: {  	s5 =	sshll.u32 s0, $0x2;
	s0 =	sshll.u32 s0, $0x9;
	s6 =	sshrl.u32 s3, $0x1  }
0x6: {  	s5 =	sor.u32 s5, s4;
	s10 =	sadd.s32 $0x1F000, s7;
	s15 =	ssub.s32 s3, s6  }
0x7: {  	s4 =	sor.u32 $0x1, s5;
	[dreg:$0x4] =	wrdreg s5;
	s11 =	sor.u32 $0x2, s5  }
0x8: {  	s12 =	sor.u32 s0, s10;
	s0 =	sor.u32 s0, s7;
	[dreg:$0x5] =	wrdreg s4  }
0x9: {  	s4 =	sshll.u32 s4, $0x7;
	[dreg:$0x6] =	wrdreg s11;
	s6 =	sshll.u32 s11, $0x7  }
0xa: {  	s8 =	sshrl.u32 s12, $0x3;
	s5 =	sor.u32 $0x180, s12;
	s19 =	sshrl.u32 s0, $0x3  }
0xb: {  	s20 =	sadd.s32 $0xC00, s0;
	s22 =	sadd.s32 $0x800, s0;
	s23 =	sadd.s32 $0x400, s0  }
0xc: {  	s7 =	sor.u32 $0x80, s0;
	s24 =	sadd.s32 $0xC80, s0;
	s25 =	sadd.s32 $0x880, s0  }
0xd: {  	s12 =	sor.u32 $0x100, s0;
	s15 =	smax.u32 s15, $0x1;
	s4 =	sand.u32 $0x280, s4  }
0xe: {  	s6 =	sand.u32 $0x300, s6;
	s9 =	sadd.s32 s2, s8;
	s16 =	sadd.s32 s14, s8  }
0xf: {  	s5 =	sshrl.u32 s5, $0x3;
	s21 =	sadd.s32 s19, s2;
	s7 =	sshrl.u32 s7, $0x3  }
0x10: {  	s8 =	sshrl.u32 s24, $0x3;
	s4 =	sor.u32 s10, s4;
	[dreg:$0x7] =	wrdreg s9  }
0x11: {  	s3 =	sor.u32 s10, s6;
	[dreg:$0x9] =	wrdreg s16;
	s18 =	sadd.s32 s2, s5  }
0x12: {  	s5 =	sadd.s32 s14, s5;
	[dreg:$0xf] =	wrdreg s21;
	s6 =	sshrl.u32 s23, $0x3  }
0x13: {  	s10 =	sadd.s32 $0x480, s0;
	s9 =	sshrl.u32 s25, $0x3;
	s16 =	sadd.s32 $0xD00, s0  }
0x14: {  	s28 =	sadd.s32 s8, s2;
	s29 =	sadd.s32 s8, s14;
	[dreg:$0xc] =	wrdreg s18  }
0x15: {  	s25 =	sor.u32 $0x180, s0;
	[dreg:$0xe] =	wrdreg s5;
	s26 =	sadd.s32 s6, s2  }
0x16: {  	s4 =	sshrl.u32 s4, $0x3;
	s31 =	sadd.s32 s6, s14;
	[dreg:$0x11] =	wrdreg s26  }
0x17: {  	s3 =	sshrl.u32 s3, $0x3;
	s23 =	sadd.s32 s9, s2;
	[dreg:$0x12] =	wrdreg s31  }
0x18: {  	s5 =	sshrl.u32 s22, $0x3;
	s24 =	sadd.s32 s9, s14;
	[dreg:$0x1b] =	wrdreg s23  }
0x19: {  	s10 =	sshrl.u32 s10, $0x3;
	s13 =	sadd.s32 s2, s4;
	[dreg:$0x1c] =	wrdreg s24  }
0x1a: {  	s18 =	sadd.s32 $0x500, s0;
	s17 =	sadd.s32 s2, s3;
	[dreg:$0x8] =	wrdreg s13  }
0x1b: {  	s4 =	sadd.s32 s14, s4;
	s3 =	sadd.s32 s14, s3;
	[dreg:$0xa] =	wrdreg s17  }
0x1c: {  	s6 =	sadd.s32 s5, s2;
	s11 =	sadd.s32 s5, s14;
	[dreg:$0xb] =	wrdreg s4  }
0x1d: {  	s21 =	sadd.s32 s10, s2;
	s22 =	sadd.s32 s10, s14;
	[dreg:$0xd] =	wrdreg s3  }
0x1e: {  	s26 =	sadd.s32 $0xD80, s0;
	s31 =	sadd.s32 $0x980, s0;
	[dreg:$0x13] =	wrdreg s6  }
0x1f: {  	s4 =	sshrl.u32 s20, $0x3;
	s3 =	sadd.s32 s19, s14;
	[dreg:$0x14] =	wrdreg s11  }
0x20: {  	s17 =	sadd.s32 $0x900, s0;
	s11 =	sshrl.u32 s18, $0x3;
	[dreg:$0x19] =	wrdreg s21  }
0x21: {  	s19 =	sadd.s32 s7, s2;
	s20 =	sadd.s32 s7, s14;
	[dreg:$0x1a] =	wrdreg s22  }
0x22: {  	s0 =	sadd.s32 $0x580, s0;
	[dreg:$0x10] =	wrdreg s3;
	s13 =	sadd.s32 s4, s2  }
0x23: {  	s4 =	sadd.s32 s4, s14;
	s3 =	sshrl.u32 s12, $0x3;
	[dreg:$0x17] =	wrdreg s19  }
0x24: {  	s12 =	sshrl.u32 s17, $0x3;
	[dreg:$0x18] =	wrdreg s20;
	s17 =	sshrl.u32 s31, $0x3  }
0x25: {  	s18 =	sshrl.u32 s0, $0x3;
	s5 =	sadd.s32 s11, s2;
	[dreg:$0x15] =	wrdreg s13  }
0x26: {  	s11 =	sadd.s32 s11, s14;
	[dreg:$0x16] =	wrdreg s4;
	s4 =	sshrl.u32 s16, $0x3  }
0x27: {  	s13 =	sshrl.u32 s25, $0x3;
	s16 =	sshrl.u32 s26, $0x3;
	s30 =	sadd.s32 s3, s2  }
0x28: {  	s0 =	sadd.s32 s12, s2;
	s8 =	sadd.s32 s17, s2;
	s9 =	sadd.s32 s18, s2  }
0x29: {  	s10 =	sadd.s32 s3, s14;
	s3 =	sadd.s32 s12, s14;
	s25 =	sadd.s32 s4, s2  }
0x2a: {  	s6 =	sadd.s32 s13, s2;
	s7 =	sadd.s32 s16, s2;
	s12 =	sadd.s32 s4, s14  }
0x2b: {  	s4 =	sadd.s32 s13, s14;
	s2 =	sadd.s32 s18, s14;
	s13 =	sadd.s32 s17, s14  }
0x2c: {  	s14 =	sadd.s32 s16, s14;
	_ =	strace $0x80000047;
	[dreg:$0x1d] =	wrdreg s15  }
0x2d: {  	v0 =	vimm.f32 $0.0e+00;
	s15 =	simm.s32 $0x1;
	s16 =	simm.s32 $0x2;
	s17 =	simm.s32 $0x0  }
.LBB2_1:
0x2e: {  	s18 =	simm.s32 $0x680;
	s22 =	rddreg [dreg:$0xf]  }
0x2f: {  	[tilespmem:s18], [sflag:$0x1] =	stream.linear.gather [hbm4b:s22+s1], $0x80, $0x38;
	[tilespmem:$0x19200] =	vst v63  }
0x30: {  	s26 =	simm.s32 $0x700;
	s19 =	simm.s32 $0x780;
	s20 =	rddreg [dreg:$0x11]  }
0x31: {  	[tilespmem:s26], [sflag:$0x1] =	stream.linear.gather [hbm4b:s20+s1], $0x80, $0x38;
	[tilespmem:$0x19200] =	vst v63  }
0x32: {  	s21 =	simm.s32 $0xA00;
	s18 =	simm.s32 $0x800;
	s24 =	rddreg [dreg:$0x13]  }
0x33: {  	[tilespmem:s19], [sflag:$0x1] =	stream.linear.gather [hbm4b:s24+s1], $0x80, $0x38;
	[tilespmem:$0x19200] =	vst v63  }
0x34: {  	s22 =	sadd.s32 $0x200, s22;
	s20 =	sadd.s32 $0x200, s20;
	s31 =	rddreg [dreg:$0x15]  }
0x35: {  	s19 =	simm.s32 $0x0;
	s24 =	sadd.s32 $0x200, s24;
	s23 =	sadd.s32 $0x200, s31  }
.LBB2_2:
0x36: {  	[tilespmem:s18], [sflag:$0x1] =	stream.linear.gather [hbm4b:s31+s1], $0x80, $0x38;
	[tilespmem:$0x19200] =	vst v63  }
0x37: {  	s18 =	smov.u32 s21;
	s31 =	smov.u32 s23;
	s19 =	sadd.s32 $0x4, s19  }
0x38: {  	s26 =	sadd.s32 $0xFFFFFE80, s21;
	p0 =	slt.u32 s19, $0x78  }
0x39: {  	[tilespmem:s26], [sflag:$0x1] =	stream.linear.gather [hbm4b:s22+s1], $0x80, $0x38;
	[tilespmem:$0x19200] =	vst v63  }
.Ltmp0:
0x3a: {  	s26 =	sadd.s32 $0xFFFFFF00, s21;
	(pc) =	sbr.rel @p0 .LBB2_2-.Ltmp0, $4  }
0x3b: {  	[tilespmem:s26], [sflag:$0x1] =	stream.linear.gather [hbm4b:s20+s1], $0x80, $0x38;
	[tilespmem:$0x19200] =	vst v63  }
0x3c: {  	s21 =	sadd.s32 $0x200, s21;
	s26 =	sadd.s32 $0xFFFFFF80, s18;
	s20 =	sadd.s32 $0x200, s20  }
0x3d: {  	[tilespmem:s26], [sflag:$0x1] =	stream.linear.gather [hbm4b:s24+s1], $0x80, $0x38;
	[tilespmem:$0x19200] =	vst v63  }
0x3e: {  	s23 =	sadd.s32 $0x200, s23;
	s22 =	sadd.s32 $0x200, s22;
	s24 =	sadd.s32 $0x200, s24  }
0x3f: {  	[tilespmem:s18], [sflag:$0x1] =	stream.linear.gather [hbm4b:s31+s1], $0x80, $0x38;
	[tilespmem:$0x19200] =	vst v63  }
0x40: {  	s19 =	simm.s32 $0x4480  }
0x41: {  	s23 =	simm.s32 $0x5200;
	s24 =	simm.s32 $0x5280;
	s18 =	rddreg [dreg:$0x7]  }
0x42: {  	[tilespmem:s19], [sflag:$0x1] =	stream.linear.gather [hbm4b:s18+s1], $0x80, $0x38;
	[tilespmem:$0x19200] =	vst v63  }
0x43: {  	s26 =	simm.s32 $0x5300;
	s21 =	simm.s32 $0x5580;
	s22 =	rddreg [dreg:$0x17]  }
0x44: {  	[tilespmem:s23], [sflag:$0x2] =	stream.linear.gather [hbm4b:s22+s1], $0x80, $0x38;
	[tilespmem:$0x19200] =	vst v63  }
0x45: {  	s31 =	smov.u32 s28;
	s18 =	simm.s32 $0x5380;
	s20 =	rddreg [dreg:$0x19]  }
0x46: {  	[tilespmem:s24], [sflag:$0x2] =	stream.linear.gather [hbm4b:s20+s1], $0x80, $0x38;
	[tilespmem:$0x19200] =	vst v63  }
0x47: {  	s19 =	simm.s32 $0x0;
	s22 =	sadd.s32 $0x200, s22;
	s24 =	rddreg [dreg:$0x1b]  }
0x48: {  	[tilespmem:s26], [sflag:$0x2] =	stream.linear.gather [hbm4b:s24+s1], $0x80, $0x38;
	[tilespmem:$0x19200] =	vst v63  }
0x49: {  	s23 =	sadd.s32 $0x200, s28;
	s20 =	sadd.s32 $0x200, s20;
	s24 =	sadd.s32 $0x200, s24  }
.LBB2_4:
0x4a: {  	[tilespmem:s18], [sflag:$0x2] =	stream.linear.gather [hbm4b:s31+s1], $0x80, $0x38;
	[tilespmem:$0x19200] =	vst v63  }
0x4b: {  	s18 =	smov.u32 s21;
	s31 =	smov.u32 s23;
	s19 =	sadd.s32 $0x4, s19  }
0x4c: {  	s26 =	sadd.s32 $0xFFFFFE80, s21;
	p0 =	slt.u32 s19, $0x78  }
0x4d: {  	[tilespmem:s26], [sflag:$0x2] =	stream.linear.gather [hbm4b:s22+s1], $0x80, $0x38;
	[tilespmem:$0x19200] =	vst v63  }
.Ltmp1:
0x4e: {  	s26 =	sadd.s32 $0xFFFFFF00, s21;
	(pc) =	sbr.rel @p0 .LBB2_4-.Ltmp1, $4  }
0x4f: {  	[tilespmem:s26], [sflag:$0x2] =	stream.linear.gather [hbm4b:s20+s1], $0x80, $0x38;
	[tilespmem:$0x19200] =	vst v63  }
0x50: {  	s21 =	sadd.s32 $0x200, s21;
	s26 =	sadd.s32 $0xFFFFFF80, s18;
	s20 =	sadd.s32 $0x200, s20  }
0x51: {  	[tilespmem:s26], [sflag:$0x2] =	stream.linear.gather [hbm4b:s24+s1], $0x80, $0x38;
	[tilespmem:$0x19200] =	vst v63  }
0x52: {  	s23 =	sadd.s32 $0x200, s23;
	s22 =	sadd.s32 $0x200, s22;
	s24 =	sadd.s32 $0x200, s24  }
0x53: {  	[tilespmem:s18], [sflag:$0x2] =	stream.linear.gather [hbm4b:s31+s1], $0x80, $0x38;
	[tilespmem:$0x19200] =	vst v63  }
0x54: {  	s18 =	simm.s32 $0x0;
	s20 =	simm.s32 $0x9000;
	s19 =	rddreg [dreg:$0x8]  }
0x55: {  	[tilespmem:s20], [sflag:$0x2] =	stream.linear.gather [hbm4b:s19+s18], $0x80, $0x38;
	[tilespmem:$0x19200] =	vst v63  }
0x56: {  	s24 =	rddreg [dreg:$0x1];
	s26 =	simm.s32 $0x19100;
	s31 =	simm.s32 $0x7  }
0x57: {  	[tilespmem:s26], [sflag:$0x7] =	stream.linear.gather [hbm4b:s24+s18], $0x80, $0x38;
	[tilespmem:$0x19200] =	vst v63  }
0x58: {  	_ =	swait.ge [sflag:s31], $0x80  }
0x59: {  	[sflag:s31] =	ssyncset.done $0x0  }
0x5a: {  	s20 =	simm.s32 $0x4530;
	[sflag:s31] =	ssyncadd.s32 $0xFFFFFF80  }
0x5b: {  	[tilespmem:s20+$0x0] =	vst v0  }
0x5c: {  	[tilespmem:s20+$0xFFFFBB00] =	vst v0  }
0x5d: {  	[tilespmem:s20+$0xFFFFFFF0] =	vst v0  }
0x5e: {  	[tilespmem:s20+$0xFFFFBAF0] =	vst v0  }
0x5f: {  	[tilespmem:s20+$0xFFFFFFE0] =	vst v0  }
0x60: {  	s21 =	simm.s32 $0x0;
	[tilespmem:s20+$0xFFFFBAE0] =	vst v0  }
0x61: {  	s22 =	simm.s32 $0x0;
	s23 =	sand.u32 $0x7C0, s18;
	s19 =	simm.s32 $0x90B0;
	[tilespmem:s20+$0xFFFFBAD0] =	vst v0  }
.LBB2_6:
0x62: {  	s21 =	sadd.s32 $0x4, s21;
	[tilespmem:s23+$0x4500] =	vst v0;
	s22 =	sadd.s32 $0x40, s22;
	s20 =	sadd.s32 $0x40, s20  }
0x63: {  	[tilespmem:s20+$0x0] =	vst v0;
	p0 =	slt.u32 s21, $0x64  }
0x64: {  	[tilespmem:s20+$0xFFFFBB00] =	vst v0  }
.Ltmp2:
0x65: {  	[tilespmem:s20+$0xFFFFFFF0] =	vst v0;
	(pc) =	sbr.rel @p0 .LBB2_6-.Ltmp2, $4  }
0x66: {  	[tilespmem:s20+$0xFFFFBAF0] =	vst v0  }
0x67: {  	[tilespmem:s20+$0xFFFFFFE0] =	vst v0  }
0x68: {  	[tilespmem:s20+$0xFFFFBAE0] =	vst v0  }
0x69: {  	s23 =	sand.u32 $0x7C0, s22;
	[tilespmem:s20+$0xFFFFBAD0] =	vst v0  }
0x6a: {  	[tilespmem:s23+$0x4500] =	vst v0  }
0x6b: {  	[tilespmem:s19+$0x0] =	vst v0  }
0x6c: {  	[tilespmem:s19+$0xFFFFBB00] =	vst v0  }
0x6d: {  	[tilespmem:s19+$0xFFFFFFF0] =	vst v0  }
0x6e: {  	[tilespmem:s19+$0xFFFFBAF0] =	vst v0  }
0x6f: {  	[tilespmem:s19+$0xFFFFFFE0] =	vst v0  }
0x70: {  	[tilespmem:s19+$0xFFFFBAE0] =	vst v0  }
0x71: {  	s20 =	simm.s32 $0x0;
	s21 =	sand.u32 $0x7C0, s18;
	[tilespmem:s19+$0xFFFFBAD0] =	vst v0  }
.LBB2_8:
0x72: {  	s20 =	sadd.s32 $0x4, s20;
	[tilespmem:s21+$0x9080] =	vst v0;
	s18 =	sadd.s32 $0x40, s18;
	s19 =	sadd.s32 $0x40, s19  }
0x73: {  	[tilespmem:s19+$0x0] =	vst v0;
	p0 =	slt.u32 s20, $0x64  }
0x74: {  	[tilespmem:s19+$0xFFFFBB00] =	vst v0  }
.Ltmp3:
0x75: {  	[tilespmem:s19+$0xFFFFFFF0] =	vst v0;
	(pc) =	sbr.rel @p0 .LBB2_8-.Ltmp3, $4  }
0x76: {  	[tilespmem:s19+$0xFFFFBAF0] =	vst v0  }
0x77: {  	[tilespmem:s19+$0xFFFFFFE0] =	vst v0  }
0x78: {  	[tilespmem:s19+$0xFFFFBAE0] =	vst v0  }
0x79: {  	s21 =	sand.u32 $0x7C0, s18;
	[tilespmem:s19+$0xFFFFBAD0] =	vst v0  }
0x7a: {  	[tilespmem:s21+$0x9080] =	vst v0  }
0x7b: {  	s19 =	rddreg [dreg:$0x4]  }
0x7c: {  	v1 =	vld [tilespmem:s19+$0x19100];
	_ =	sdelay $0x4  }
0x7d: {  	(v2sf) =	vpush v1, $0x0;
	_ =	sdelay $0xd  }
0x7e: {  	s18 =	rddreg [dreg:$0x5]  }
0x7f: {  	s20 =	rddreg [dreg:$0x6];
	v3 =	vld [tilespmem:s18+$0x19100];
	s26 =	spop (v2sf)  }
0x80: {  	v2 =	vld [tilespmem:s20+$0x19100];
	s18 =	sshll.u32 s26, $0x2  }
0x81: {  	v1 =	vld [tilespmem:s19+$0x19103];
	_ =	swait.ge [sflag:s15], $0x3E80;
	s18 =	ssub.s32 $0x0, s18  }
0x82: {  	[sflag:s15] =	ssyncset.done $0x0;
	s18 =	sshra.s32 s18, $0x2  }
0x83: {  	[sflag:s15] =	ssyncadd.s32 $0xFFFFC180;
	s31 =	sadd.s32 $0xD30, s18  }
0x84: {  	v7 =	vld [tilespmem:s31+$0x0]  }
0x85: {  	v8 =	vld [tilespmem:s31+$0xFFFFFFA0]  }
0x86: {  	v9 =	vld [tilespmem:s31+$0xFFFFFFB0]  }
0x87: {  	v4 =	vld [tilespmem:s31+$0xFFFFFFC0]  }
0x88: {  	s18 =	simm.s32 $0x9740;
	v5 =	vld [tilespmem:s31+$0xFFFFFFD0]  }
0x89: {  	v6 =	vld [tilespmem:s31+$0xFFFFFFE0];
	[tilespmem:s18+$0x30] =	vst v7  }
0x8a: {  	[tilespmem:s18+$0xFFFFFFD0] =	vst v8;
	v7 =	vld [tilespmem:s31+$0xFFFFFFF0]  }
0x8b: {  	s20 =	simm.s32 $0x0;
	s19 =	simm.s32 $0x9700;
	s21 =	sadd.s32 $0x80, s31;
	v8 =	vld [tilespmem:s31+$0xFFFFFF90];
	[tilespmem:s18+$0xFFFFFFE0] =	vst v9  }
.LBB2_10:
0x8c: {  	v9 =	vld [tilespmem:s21+$0x0];
	s20 =	sadd.s32 $0x8, s20;
	[tilespmem:s18+$0xFFFFFFF0] =	vst v4  }
0x8d: {  	v10 =	vld [tilespmem:s21+$0xFFFFFFA0];
	p0 =	slt.u32 s20, $0x3E0;
	[tilespmem:s18+$0x0] =	vst v5  }
0x8e: {  	v11 =	vld [tilespmem:s21+$0xFFFFFFB0];
	[tilespmem:s18+$0x10] =	vst v6  }
.Ltmp4:
0x8f: {  	v4 =	vld [tilespmem:s21+$0xFFFFFFC0];
	[tilespmem:s18+$0x20] =	vst v7;
	(pc) =	sbr.rel @p0 .LBB2_10-.Ltmp4, $4  }
0x90: {  	v5 =	vld [tilespmem:s21+$0xFFFFFFD0];
	[tilespmem:s18+$0xFFFFFFC0] =	vst v8;
	s18 =	sadd.s32 $0x80, s18  }
0x91: {  	v6 =	vld [tilespmem:s21+$0xFFFFFFE0];
	[tilespmem:s18+$0x30] =	vst v9  }
0x92: {  	[tilespmem:s18+$0xFFFFFFD0] =	vst v10;
	v7 =	vld [tilespmem:s21+$0xFFFFFFF0]  }
0x93: {  	v8 =	vld [tilespmem:s21+$0xFFFFFF90];
	[tilespmem:s18+$0xFFFFFFE0] =	vst v11;
	s21 =	sadd.s32 $0x80, s21  }
0x94: {  	[tilespmem:s18+$0xFFFFFFF0] =	vst v4  }
0x95: {  	[tilespmem:s18+$0x0] =	vst v5  }
0x96: {  	[tilespmem:s18+$0x10] =	vst v6  }
0x97: {  	[tilespmem:s18+$0x20] =	vst v7  }
0x98: {  	[tilespmem:s18+$0xFFFFFFC0] =	vst v8  }
0x99: {  	s22 =	rddreg [dreg:$0x10]  }
0x9a: {  	[hbm4b:s22+s1] =	stream.linear.scatter [tilespmem:s19], [sflag:$0x3], $0x80, $0x38;
	[tilespmem:$0x19200] =	vst v63  }
0x9b: {  	s24 =	simm.s32 $0x9780;
	s26 =	simm.s32 $0x9800;
	s20 =	rddreg [dreg:$0x12]  }
0x9c: {  	[hbm4b:s20+s1] =	stream.linear.scatter [tilespmem:s24], [sflag:$0x3], $0x80, $0x38;
	[tilespmem:$0x19200] =	vst v63  }
0x9d: {  	s31 =	simm.s32 $0x9880;
	s23 =	simm.s32 $0x9900;
	s21 =	rddreg [dreg:$0x14]  }
0x9e: {  	[hbm4b:s21+s1] =	stream.linear.scatter [tilespmem:s26], [sflag:$0x3], $0x80, $0x38;
	[tilespmem:$0x19200] =	vst v63  }
0x9f: {  	s18 =	simm.s32 $0x0;
	s22 =	sadd.s32 $0x200, s22;
	s24 =	rddreg [dreg:$0x16]  }
0xa0: {  	s20 =	sadd.s32 $0x200, s20;
	s21 =	sadd.s32 $0x200, s21;
	s19 =	sadd.s32 $0x200, s24  }
.LBB2_12:
0xa1: {  	[hbm4b:s24+s1] =	stream.linear.scatter [tilespmem:s31], [sflag:$0x3], $0x80, $0x38;
	[tilespmem:$0x19200] =	vst v63  }
0xa2: {  	s24 =	smov.u32 s19;
	s26 =	smov.u32 s21;
	s18 =	sadd.s32 $0x4, s18  }
0xa3: {  	s19 =	sadd.s32 $0x200, s19;
	p0 =	slt.u32 s18, $0x78  }
0xa4: {  	[hbm4b:s22+s1] =	stream.linear.scatter [tilespmem:s23], [sflag:$0x3], $0x80, $0x38;
	[tilespmem:$0x19200] =	vst v63  }
.Ltmp5:
0xa5: {  	s31 =	sadd.s32 $0x80, s23;
	(pc) =	sbr.rel @p0 .LBB2_12-.Ltmp5, $4  }
0xa6: {  	[hbm4b:s20+s1] =	stream.linear.scatter [tilespmem:s31], [sflag:$0x3], $0x80, $0x38;
	[tilespmem:$0x19200] =	vst v63  }
0xa7: {  	s21 =	sadd.s32 $0x200, s21;
	s31 =	sadd.s32 $0x100, s23;
	s20 =	sadd.s32 $0x200, s20  }
0xa8: {  	[hbm4b:s26+s1] =	stream.linear.scatter [tilespmem:s31], [sflag:$0x3], $0x80, $0x38;
	[tilespmem:$0x19200] =	vst v63  }
0xa9: {  	s22 =	sadd.s32 $0x200, s22;
	s31 =	sadd.s32 $0x180, s23;
	s23 =	sadd.s32 $0x200, s23  }
0xaa: {  	[hbm4b:s24+s1] =	stream.linear.scatter [tilespmem:s31], [sflag:$0x3], $0x80, $0x38;
	[tilespmem:$0x19200] =	vst v63  }
0xab: {  	s19 =	simm.s32 $0xD500  }
0xac: {  	s23 =	simm.s32 $0x680;
	s24 =	simm.s32 $0x700;
	s18 =	rddreg [dreg:$0x9]  }
0xad: {  	[hbm4b:s18+s1] =	stream.linear.scatter [tilespmem:s19], [sflag:$0x3], $0x80, $0x38;
	[tilespmem:$0x19200] =	vst v63  }
0xae: {  	s26 =	simm.s32 $0x780;
	s20 =	sadd.s32 $0x200, s5;
	s21 =	simm.s32 $0xA00  }
0xaf: {  	[tilespmem:s23], [sflag:$0x1] =	stream.linear.gather [hbm4b:s30+s1], $0x80, $0x38;
	[tilespmem:$0x19200] =	vst v63  }
0xb0: {  	s22 =	sadd.s32 $0x200, s30;
	s31 =	smov.u32 s25;
	s18 =	simm.s32 $0x800  }
0xb1: {  	[tilespmem:s24], [sflag:$0x1] =	stream.linear.gather [hbm4b:s5+s1], $0x80, $0x38;
	[tilespmem:$0x19200] =	vst v63  }
0xb2: {  	s19 =	simm.s32 $0x0;
	s23 =	sadd.s32 $0x200, s25;
	s24 =	sadd.s32 $0x200, s0  }
0xb3: {  	[tilespmem:s26], [sflag:$0x1] =	stream.linear.gather [hbm4b:s0+s1], $0x80, $0x38;
	[tilespmem:$0x19200] =	vst v63  }
.LBB2_14:
0xb4: {  	[tilespmem:s18], [sflag:$0x1] =	stream.linear.gather [hbm4b:s31+s1], $0x80, $0x38;
	[tilespmem:$0x19200] =	vst v63  }
0xb5: {  	s18 =	smov.u32 s21;
	s31 =	smov.u32 s23;
	s19 =	sadd.s32 $0x4, s19  }
0xb6: {  	s26 =	sadd.s32 $0xFFFFFE80, s21;
	p0 =	slt.u32 s19, $0x78  }
0xb7: {  	[tilespmem:s26], [sflag:$0x1] =	stream.linear.gather [hbm4b:s22+s1], $0x80, $0x38;
	[tilespmem:$0x19200] =	vst v63  }
.Ltmp6:
0xb8: {  	s26 =	sadd.s32 $0xFFFFFF00, s21;
	(pc) =	sbr.rel @p0 .LBB2_14-.Ltmp6, $4  }
0xb9: {  	[tilespmem:s26], [sflag:$0x1] =	stream.linear.gather [hbm4b:s20+s1], $0x80, $0x38;
	[tilespmem:$0x19200] =	vst v63  }
0xba: {  	s21 =	sadd.s32 $0x200, s21;
	s26 =	sadd.s32 $0xFFFFFF80, s18;
	s20 =	sadd.s32 $0x200, s20  }
0xbb: {  	[tilespmem:s26], [sflag:$0x1] =	stream.linear.gather [hbm4b:s24+s1], $0x80, $0x38;
	[tilespmem:$0x19200] =	vst v63  }
0xbc: {  	s23 =	sadd.s32 $0x200, s23;
	s22 =	sadd.s32 $0x200, s22;
	s24 =	sadd.s32 $0x200, s24  }
0xbd: {  	(v2sf) =	vpush v3, $0x0;
	_ =	sdelay $0xb  }
0xbe: {  	[tilespmem:s18], [sflag:$0x1] =	stream.linear.gather [hbm4b:s31+s1], $0x80, $0x38;
	[tilespmem:$0x19200] =	vst v63  }
0xbf: {  	s20 =	simm.s32 $0x4480;
	s19 =	rddreg [dreg:$0xa]  }
0xc0: {  	[tilespmem:s20], [sflag:$0x1] =	stream.linear.gather [hbm4b:s19+s1], $0x80, $0x38;
	[tilespmem:$0x19200] =	vst v63  }
0xc1: {  	s31 =	spop (v2sf)  }
0xc2: {  	s18 =	sshll.u32 s31, $0x2  }
0xc3: {  	_ =	swait.ge [sflag:s16], $0x3E80;
	s18 =	ssub.s32 $0x0, s18  }
0xc4: {  	[sflag:s16] =	ssyncset.done $0x0;
	s18 =	sshra.s32 s18, $0x2  }
0xc5: {  	[sflag:s16] =	ssyncadd.s32 $0xFFFFC180;
	s21 =	sadd.s32 $0x58B0, s18  }
0xc6: {  	v6 =	vld [tilespmem:s21+$0x0]  }
0xc7: {  	v7 =	vld [tilespmem:s21+$0xFFFFFFA0]  }
0xc8: {  	v8 =	vld [tilespmem:s21+$0xFFFFFFB0]  }
0xc9: {  	v3 =	vld [tilespmem:s21+$0xFFFFFFC0]  }
0xca: {  	s18 =	simm.s32 $0xD5C0;
	v4 =	vld [tilespmem:s21+$0xFFFFFFD0]  }
0xcb: {  	v5 =	vld [tilespmem:s21+$0xFFFFFFE0];
	[tilespmem:s18+$0x30] =	vst v6  }
0xcc: {  	[tilespmem:s18+$0xFFFFFFD0] =	vst v7;
	v6 =	vld [tilespmem:s21+$0xFFFFFFF0]  }
0xcd: {  	s20 =	simm.s32 $0x0;
	s19 =	simm.s32 $0xD580;
	v7 =	vld [tilespmem:s21+$0xFFFFFF90];
	[tilespmem:s18+$0xFFFFFFE0] =	vst v8;
	s21 =	sadd.s32 $0x80, s21  }
.LBB2_16:
0xce: {  	v8 =	vld [tilespmem:s21+$0x0];
	s20 =	sadd.s32 $0x8, s20;
	[tilespmem:s18+$0xFFFFFFF0] =	vst v3  }
0xcf: {  	v9 =	vld [tilespmem:s21+$0xFFFFFFA0];
	p0 =	slt.u32 s20, $0x3E0;
	[tilespmem:s18+$0x0] =	vst v4  }
0xd0: {  	v10 =	vld [tilespmem:s21+$0xFFFFFFB0];
	[tilespmem:s18+$0x10] =	vst v5  }
.Ltmp7:
0xd1: {  	v3 =	vld [tilespmem:s21+$0xFFFFFFC0];
	[tilespmem:s18+$0x20] =	vst v6;
	(pc) =	sbr.rel @p0 .LBB2_16-.Ltmp7, $4  }
0xd2: {  	v4 =	vld [tilespmem:s21+$0xFFFFFFD0];
	[tilespmem:s18+$0xFFFFFFC0] =	vst v7;
	s18 =	sadd.s32 $0x80, s18  }
0xd3: {  	v5 =	vld [tilespmem:s21+$0xFFFFFFE0];
	[tilespmem:s18+$0x30] =	vst v8  }
0xd4: {  	[tilespmem:s18+$0xFFFFFFD0] =	vst v9;
	v6 =	vld [tilespmem:s21+$0xFFFFFFF0]  }
0xd5: {  	v7 =	vld [tilespmem:s21+$0xFFFFFF90];
	[tilespmem:s18+$0xFFFFFFE0] =	vst v10;
	s21 =	sadd.s32 $0x80, s21  }
0xd6: {  	[tilespmem:s18+$0xFFFFFFF0] =	vst v3  }
0xd7: {  	[tilespmem:s18+$0x0] =	vst v4  }
0xd8: {  	[tilespmem:s18+$0x10] =	vst v5  }
0xd9: {  	[tilespmem:s18+$0x20] =	vst v6  }
0xda: {  	s24 =	simm.s32 $0xD600;
	[tilespmem:s18+$0xFFFFFFC0] =	vst v7  }
0xdb: {  	s26 =	simm.s32 $0xD680;
	s31 =	simm.s32 $0xD700;
	s22 =	rddreg [dreg:$0x18]  }
0xdc: {  	[hbm4b:s22+s1] =	stream.linear.scatter [tilespmem:s19], [sflag:$0x4], $0x80, $0x38;
	[tilespmem:$0x19200] =	vst v63  }
0xdd: {  	s23 =	simm.s32 $0xD780;
	s18 =	simm.s32 $0x0;
	s20 =	rddreg [dreg:$0x1a]  }
0xde: {  	[hbm4b:s20+s1] =	stream.linear.scatter [tilespmem:s24], [sflag:$0x4], $0x80, $0x38;
	[tilespmem:$0x19200] =	vst v63  }
0xdf: {  	s19 =	sadd.s32 $0x200, s29;
	s22 =	sadd.s32 $0x200, s22;
	s21 =	rddreg [dreg:$0x1c]  }
0xe0: {  	[hbm4b:s21+s1] =	stream.linear.scatter [tilespmem:s26], [sflag:$0x4], $0x80, $0x38;
	[tilespmem:$0x19200] =	vst v63  }
0xe1: {  	s20 =	sadd.s32 $0x200, s20;
	s24 =	smov.u32 s29;
	s21 =	sadd.s32 $0x200, s21  }
.LBB2_18:
0xe2: {  	[hbm4b:s24+s1] =	stream.linear.scatter [tilespmem:s31], [sflag:$0x4], $0x80, $0x38;
	[tilespmem:$0x19200] =	vst v63  }
0xe3: {  	s24 =	smov.u32 s19;
	s26 =	smov.u32 s21;
	s18 =	sadd.s32 $0x4, s18  }
0xe4: {  	s19 =	sadd.s32 $0x200, s19;
	p0 =	slt.u32 s18, $0x78  }
0xe5: {  	[hbm4b:s22+s1] =	stream.linear.scatter [tilespmem:s23], [sflag:$0x4], $0x80, $0x38;
	[tilespmem:$0x19200] =	vst v63  }
.Ltmp8:
0xe6: {  	s31 =	sadd.s32 $0x80, s23;
	(pc) =	sbr.rel @p0 .LBB2_18-.Ltmp8, $4  }
0xe7: {  	[hbm4b:s20+s1] =	stream.linear.scatter [tilespmem:s31], [sflag:$0x4], $0x80, $0x38;
	[tilespmem:$0x19200] =	vst v63  }
0xe8: {  	s21 =	sadd.s32 $0x200, s21;
	s31 =	sadd.s32 $0x100, s23;
	s20 =	sadd.s32 $0x200, s20  }
0xe9: {  	[hbm4b:s26+s1] =	stream.linear.scatter [tilespmem:s31], [sflag:$0x4], $0x80, $0x38;
	[tilespmem:$0x19200] =	vst v63  }
0xea: {  	s22 =	sadd.s32 $0x200, s22;
	s31 =	sadd.s32 $0x180, s23;
	s23 =	sadd.s32 $0x200, s23  }
0xeb: {  	[hbm4b:s24+s1] =	stream.linear.scatter [tilespmem:s31], [sflag:$0x4], $0x80, $0x38;
	[tilespmem:$0x19200] =	vst v63  }
0xec: {  	s19 =	simm.s32 $0x11380  }
0xed: {  	s23 =	simm.s32 $0x5200;
	s24 =	simm.s32 $0x5280;
	s18 =	rddreg [dreg:$0xb]  }
0xee: {  	[hbm4b:s18+s1] =	stream.linear.scatter [tilespmem:s19], [sflag:$0x4], $0x80, $0x38;
	[tilespmem:$0x19200] =	vst v63  }
0xef: {  	s26 =	simm.s32 $0x5300;
	s20 =	sadd.s32 $0x200, s9;
	s21 =	simm.s32 $0x5580  }
0xf0: {  	[tilespmem:s23], [sflag:$0x2] =	stream.linear.gather [hbm4b:s6+s1], $0x80, $0x38;
	[tilespmem:$0x19200] =	vst v63  }
0xf1: {  	s22 =	sadd.s32 $0x200, s6;
	s31 =	smov.u32 s7;
	s18 =	simm.s32 $0x5380  }
0xf2: {  	[tilespmem:s24], [sflag:$0x2] =	stream.linear.gather [hbm4b:s9+s1], $0x80, $0x38;
	[tilespmem:$0x19200] =	vst v63  }
0xf3: {  	s19 =	simm.s32 $0x0;
	s23 =	sadd.s32 $0x200, s7;
	s24 =	sadd.s32 $0x200, s8  }
0xf4: {  	[tilespmem:s26], [sflag:$0x2] =	stream.linear.gather [hbm4b:s8+s1], $0x80, $0x38;
	[tilespmem:$0x19200] =	vst v63  }
.LBB2_20:
0xf5: {  	[tilespmem:s18], [sflag:$0x2] =	stream.linear.gather [hbm4b:s31+s1], $0x80, $0x38;
	[tilespmem:$0x19200] =	vst v63  }
0xf6: {  	s18 =	smov.u32 s21;
	s31 =	smov.u32 s23;
	s19 =	sadd.s32 $0x4, s19  }
0xf7: {  	s26 =	sadd.s32 $0xFFFFFE80, s21;
	p0 =	slt.u32 s19, $0x78  }
0xf8: {  	[tilespmem:s26], [sflag:$0x2] =	stream.linear.gather [hbm4b:s22+s1], $0x80, $0x38;
	[tilespmem:$0x19200] =	vst v63  }
.Ltmp9:
0xf9: {  	s26 =	sadd.s32 $0xFFFFFF00, s21;
	(pc) =	sbr.rel @p0 .LBB2_20-.Ltmp9, $4  }
0xfa: {  	[tilespmem:s26], [sflag:$0x2] =	stream.linear.gather [hbm4b:s20+s1], $0x80, $0x38;
	[tilespmem:$0x19200] =	vst v63  }
0xfb: {  	s21 =	sadd.s32 $0x200, s21;
	s26 =	sadd.s32 $0xFFFFFF80, s18;
	s20 =	sadd.s32 $0x200, s20  }
0xfc: {  	[tilespmem:s26], [sflag:$0x2] =	stream.linear.gather [hbm4b:s24+s1], $0x80, $0x38;
	[tilespmem:$0x19200] =	vst v63  }
0xfd: {  	s23 =	sadd.s32 $0x200, s23;
	s22 =	sadd.s32 $0x200, s22;
	s24 =	sadd.s32 $0x200, s24  }
0xfe: {  	(v2sf) =	vpush v2, $0x0;
	_ =	sdelay $0xb  }
0xff: {  	[tilespmem:s18], [sflag:$0x2] =	stream.linear.gather [hbm4b:s31+s1], $0x80, $0x38;
	[tilespmem:$0x19200] =	vst v63  }
0x100: {  	s20 =	simm.s32 $0x9000;
	s19 =	rddreg [dreg:$0xc]  }
0x101: {  	[tilespmem:s20], [sflag:$0x2] =	stream.linear.gather [hbm4b:s19+s1], $0x80, $0x38;
	[tilespmem:$0x19200] =	vst v63  }
0x102: {  	s31 =	spop (v2sf)  }
0x103: {  	s18 =	sshll.u32 s31, $0x2  }
0x104: {  	_ =	swait.ge [sflag:s15], $0x3E80;
	s18 =	ssub.s32 $0x0, s18  }
0x105: {  	[sflag:s15] =	ssyncset.done $0x0;
	s18 =	sshra.s32 s18, $0x2  }
0x106: {  	[sflag:s15] =	ssyncadd.s32 $0xFFFFC180;
	s21 =	sadd.s32 $0xD30, s18  }
0x107: {  	v5 =	vld [tilespmem:s21+$0x0]  }
0x108: {  	v6 =	vld [tilespmem:s21+$0xFFFFFFA0]  }
0x109: {  	v7 =	vld [tilespmem:s21+$0xFFFFFFB0]  }
0x10a: {  	v2 =	vld [tilespmem:s21+$0xFFFFFFC0]  }
0x10b: {  	s18 =	simm.s32 $0x11440;
	v3 =	vld [tilespmem:s21+$0xFFFFFFD0]  }
0x10c: {  	v4 =	vld [tilespmem:s21+$0xFFFFFFE0];
	[tilespmem:s18+$0x30] =	vst v5  }
0x10d: {  	[tilespmem:s18+$0xFFFFFFD0] =	vst v6;
	v5 =	vld [tilespmem:s21+$0xFFFFFFF0]  }
0x10e: {  	s20 =	simm.s32 $0x0;
	s19 =	simm.s32 $0x11400;
	v6 =	vld [tilespmem:s21+$0xFFFFFF90];
	[tilespmem:s18+$0xFFFFFFE0] =	vst v7;
	s21 =	sadd.s32 $0x80, s21  }
.LBB2_22:
0x10f: {  	v7 =	vld [tilespmem:s21+$0x0];
	s20 =	sadd.s32 $0x8, s20;
	[tilespmem:s18+$0xFFFFFFF0] =	vst v2  }
0x110: {  	v8 =	vld [tilespmem:s21+$0xFFFFFFA0];
	p0 =	slt.u32 s20, $0x3E0;
	[tilespmem:s18+$0x0] =	vst v3  }
0x111: {  	v9 =	vld [tilespmem:s21+$0xFFFFFFB0];
	[tilespmem:s18+$0x10] =	vst v4  }
.Ltmp10:
0x112: {  	v2 =	vld [tilespmem:s21+$0xFFFFFFC0];
	[tilespmem:s18+$0x20] =	vst v5;
	(pc) =	sbr.rel @p0 .LBB2_22-.Ltmp10, $4  }
0x113: {  	v3 =	vld [tilespmem:s21+$0xFFFFFFD0];
	[tilespmem:s18+$0xFFFFFFC0] =	vst v6;
	s18 =	sadd.s32 $0x80, s18  }
0x114: {  	v4 =	vld [tilespmem:s21+$0xFFFFFFE0];
	[tilespmem:s18+$0x30] =	vst v7  }
0x115: {  	[tilespmem:s18+$0xFFFFFFD0] =	vst v8;
	v5 =	vld [tilespmem:s21+$0xFFFFFFF0]  }
0x116: {  	v6 =	vld [tilespmem:s21+$0xFFFFFF90];
	[tilespmem:s18+$0xFFFFFFE0] =	vst v9;
	s21 =	sadd.s32 $0x80, s21  }
0x117: {  	[tilespmem:s18+$0xFFFFFFF0] =	vst v2  }
0x118: {  	[tilespmem:s18+$0x0] =	vst v3  }
0x119: {  	[tilespmem:s18+$0x10] =	vst v4  }
0x11a: {  	s24 =	simm.s32 $0x11480;
	[tilespmem:s18+$0x20] =	vst v5  }
0x11b: {  	s26 =	simm.s32 $0x11500;
	s20 =	sadd.s32 $0x200, s11;
	s21 =	sadd.s32 $0x200, s3;
	[tilespmem:s18+$0xFFFFFFC0] =	vst v6  }
0x11c: {  	[hbm4b:s10+s1] =	stream.linear.scatter [tilespmem:s19], [sflag:$0x5], $0x80, $0x38;
	[tilespmem:$0x19200] =	vst v63  }
0x11d: {  	s31 =	simm.s32 $0x11580;
	s22 =	sadd.s32 $0x200, s10;
	s23 =	smov.u32 s12  }
0x11e: {  	[hbm4b:s11+s1] =	stream.linear.scatter [tilespmem:s24], [sflag:$0x5], $0x80, $0x38;
	[tilespmem:$0x19200] =	vst v63  }
0x11f: {  	s18 =	simm.s32 $0x0;
	s19 =	sadd.s32 $0x200, s12;
	s24 =	simm.s32 $0x11600  }
0x120: {  	[hbm4b:s3+s1] =	stream.linear.scatter [tilespmem:s26], [sflag:$0x5], $0x80, $0x38;
	[tilespmem:$0x19200] =	vst v63  }
.LBB2_24:
0x121: {  	[hbm4b:s23+s1] =	stream.linear.scatter [tilespmem:s31], [sflag:$0x5], $0x80, $0x38;
	[tilespmem:$0x19200] =	vst v63  }
0x122: {  	s23 =	smov.u32 s19;
	s26 =	smov.u32 s21;
	s18 =	sadd.s32 $0x4, s18  }
0x123: {  	s19 =	sadd.s32 $0x200, s19;
	p0 =	slt.u32 s18, $0x78  }
0x124: {  	[hbm4b:s22+s1] =	stream.linear.scatter [tilespmem:s24], [sflag:$0x5], $0x80, $0x38;
	[tilespmem:$0x19200] =	vst v63  }
.Ltmp11:
0x125: {  	s31 =	sadd.s32 $0x80, s24;
	(pc) =	sbr.rel @p0 .LBB2_24-.Ltmp11, $4  }
0x126: {  	[hbm4b:s20+s1] =	stream.linear.scatter [tilespmem:s31], [sflag:$0x5], $0x80, $0x38;
	[tilespmem:$0x19200] =	vst v63  }
0x127: {  	s21 =	sadd.s32 $0x200, s21;
	s31 =	sadd.s32 $0x100, s24;
	s20 =	sadd.s32 $0x200, s20  }
0x128: {  	[hbm4b:s26+s1] =	stream.linear.scatter [tilespmem:s31], [sflag:$0x5], $0x80, $0x38;
	[tilespmem:$0x19200] =	vst v63  }
0x129: {  	s22 =	sadd.s32 $0x200, s22;
	s31 =	sadd.s32 $0x180, s24;
	s24 =	sadd.s32 $0x200, s24  }
0x12a: {  	(v2sf) =	vpush v1, $0x0;
	_ =	sdelay $0xb  }
0x12b: {  	[hbm4b:s23+s1] =	stream.linear.scatter [tilespmem:s31], [sflag:$0x5], $0x80, $0x38;
	[tilespmem:$0x19200] =	vst v63  }
0x12c: {  	s20 =	simm.s32 $0x15200;
	s19 =	rddreg [dreg:$0xd]  }
0x12d: {  	[hbm4b:s19+s1] =	stream.linear.scatter [tilespmem:s20], [sflag:$0x5], $0x80, $0x38;
	[tilespmem:$0x19200] =	vst v63  }
0x12e: {  	s18 =	spop (v2sf)  }
0x12f: {  	s18 =	sshll.u32 s18, $0x2  }
0x130: {  	_ =	swait.ge [sflag:s16], $0x3E80;
	s18 =	ssub.s32 $0x0, s18  }
0x131: {  	[sflag:s16] =	ssyncset.done $0x0;
	s18 =	sshra.s32 s18, $0x2  }
0x132: {  	[sflag:s16] =	ssyncadd.s32 $0xFFFFC180;
	s21 =	sadd.s32 $0x58B0, s18  }
0x133: {  	v4 =	vld [tilespmem:s21+$0x0]  }
0x134: {  	v5 =	vld [tilespmem:s21+$0xFFFFFFA0]  }
0x135: {  	v6 =	vld [tilespmem:s21+$0xFFFFFFB0]  }
0x136: {  	v1 =	vld [tilespmem:s21+$0xFFFFFFC0]  }
0x137: {  	s18 =	simm.s32 $0x152C0;
	v2 =	vld [tilespmem:s21+$0xFFFFFFD0]  }
0x138: {  	v3 =	vld [tilespmem:s21+$0xFFFFFFE0];
	[tilespmem:s18+$0x30] =	vst v4  }
0x139: {  	[tilespmem:s18+$0xFFFFFFD0] =	vst v5;
	v4 =	vld [tilespmem:s21+$0xFFFFFFF0]  }
0x13a: {  	s20 =	simm.s32 $0x0;
	s19 =	simm.s32 $0x15280;
	v5 =	vld [tilespmem:s21+$0xFFFFFF90];
	[tilespmem:s18+$0xFFFFFFE0] =	vst v6;
	s21 =	sadd.s32 $0x80, s21  }
.LBB2_26:
0x13b: {  	v6 =	vld [tilespmem:s21+$0x0];
	s20 =	sadd.s32 $0x8, s20;
	[tilespmem:s18+$0xFFFFFFF0] =	vst v1  }
0x13c: {  	v7 =	vld [tilespmem:s21+$0xFFFFFFA0];
	p0 =	slt.u32 s20, $0x3E0;
	[tilespmem:s18+$0x0] =	vst v2  }
0x13d: {  	v8 =	vld [tilespmem:s21+$0xFFFFFFB0];
	[tilespmem:s18+$0x10] =	vst v3  }
.Ltmp12:
0x13e: {  	v1 =	vld [tilespmem:s21+$0xFFFFFFC0];
	[tilespmem:s18+$0x20] =	vst v4;
	(pc) =	sbr.rel @p0 .LBB2_26-.Ltmp12, $4  }
0x13f: {  	v2 =	vld [tilespmem:s21+$0xFFFFFFD0];
	[tilespmem:s18+$0xFFFFFFC0] =	vst v5;
	s18 =	sadd.s32 $0x80, s18  }
0x140: {  	v3 =	vld [tilespmem:s21+$0xFFFFFFE0];
	[tilespmem:s18+$0x30] =	vst v6  }
0x141: {  	[tilespmem:s18+$0xFFFFFFD0] =	vst v7;
	v4 =	vld [tilespmem:s21+$0xFFFFFFF0]  }
0x142: {  	v5 =	vld [tilespmem:s21+$0xFFFFFF90];
	[tilespmem:s18+$0xFFFFFFE0] =	vst v8;
	s21 =	sadd.s32 $0x80, s21  }
0x143: {  	[tilespmem:s18+$0xFFFFFFF0] =	vst v1  }
0x144: {  	[tilespmem:s18+$0x0] =	vst v2  }
0x145: {  	[tilespmem:s18+$0x10] =	vst v3  }
0x146: {  	s24 =	simm.s32 $0x15300;
	[tilespmem:s18+$0x20] =	vst v4  }
0x147: {  	s26 =	simm.s32 $0x15380;
	s20 =	sadd.s32 $0x200, s2;
	s21 =	sadd.s32 $0x200, s13;
	[tilespmem:s18+$0xFFFFFFC0] =	vst v5  }
0x148: {  	[hbm4b:s4+s1] =	stream.linear.scatter [tilespmem:s19], [sflag:$0x6], $0x80, $0x38;
	[tilespmem:$0x19200] =	vst v63  }
0x149: {  	s31 =	simm.s32 $0x15400;
	s22 =	sadd.s32 $0x200, s4;
	s23 =	simm.s32 $0x15480  }
0x14a: {  	[hbm4b:s2+s1] =	stream.linear.scatter [tilespmem:s24], [sflag:$0x6], $0x80, $0x38;
	[tilespmem:$0x19200] =	vst v63  }
0x14b: {  	s18 =	simm.s32 $0x0;
	s19 =	sadd.s32 $0x200, s14;
	s24 =	smov.u32 s14  }
0x14c: {  	[hbm4b:s13+s1] =	stream.linear.scatter [tilespmem:s26], [sflag:$0x6], $0x80, $0x38;
	[tilespmem:$0x19200] =	vst v63  }
.LBB2_28:
0x14d: {  	[hbm4b:s24+s1] =	stream.linear.scatter [tilespmem:s31], [sflag:$0x6], $0x80, $0x38;
	[tilespmem:$0x19200] =	vst v63  }
0x14e: {  	s24 =	smov.u32 s19;
	s26 =	smov.u32 s21;
	s18 =	sadd.s32 $0x4, s18  }
0x14f: {  	s19 =	sadd.s32 $0x200, s19;
	p0 =	slt.u32 s18, $0x78  }
0x150: {  	[hbm4b:s22+s1] =	stream.linear.scatter [tilespmem:s23], [sflag:$0x6], $0x80, $0x38;
	[tilespmem:$0x19200] =	vst v63  }
.Ltmp13:
0x151: {  	s31 =	sadd.s32 $0x80, s23;
	(pc) =	sbr.rel @p0 .LBB2_28-.Ltmp13, $4  }
0x152: {  	[hbm4b:s20+s1] =	stream.linear.scatter [tilespmem:s31], [sflag:$0x6], $0x80, $0x38;
	[tilespmem:$0x19200] =	vst v63  }
0x153: {  	s21 =	sadd.s32 $0x200, s21;
	s31 =	sadd.s32 $0x100, s23;
	s20 =	sadd.s32 $0x200, s20  }
0x154: {  	[hbm4b:s26+s1] =	stream.linear.scatter [tilespmem:s31], [sflag:$0x6], $0x80, $0x38;
	[tilespmem:$0x19200] =	vst v63  }
0x155: {  	s22 =	sadd.s32 $0x200, s22;
	s31 =	sadd.s32 $0x180, s23;
	s23 =	sadd.s32 $0x200, s23  }
0x156: {  	[hbm4b:s24+s1] =	stream.linear.scatter [tilespmem:s31], [sflag:$0x6], $0x80, $0x38;
	[tilespmem:$0x19200] =	vst v63  }
0x157: {  	s19 =	simm.s32 $0x19080;
	s22 =	simm.s32 $0x3;
	s18 =	rddreg [dreg:$0xe]  }
0x158: {  	[hbm4b:s18+s1] =	stream.linear.scatter [tilespmem:s19], [sflag:$0x6], $0x80, $0x38;
	[tilespmem:$0x19200] =	vst v63  }
0x159: {  	_ =	swait.ge [sflag:s22], $0x3E80  }
0x15a: {  	[sflag:s22] =	ssyncset.done $0x0  }
0x15b: {  	s23 =	simm.s32 $0x4;
	[sflag:s22] =	ssyncadd.s32 $0xFFFFC180  }
0x15c: {  	_ =	swait.ge [sflag:s23], $0x3E80  }
0x15d: {  	[sflag:s23] =	ssyncset.done $0x0  }
0x15e: {  	s24 =	simm.s32 $0x5;
	[sflag:s23] =	ssyncadd.s32 $0xFFFFC180  }
0x15f: {  	_ =	swait.ge [sflag:s24], $0x3E80  }
0x160: {  	[sflag:s24] =	ssyncset.done $0x0  }
0x161: {  	s26 =	simm.s32 $0x6;
	[sflag:s24] =	ssyncadd.s32 $0xFFFFC180  }
0x162: {  	_ =	swait.ge [sflag:s26], $0x3E80  }
0x163: {  	s17 =	sadd.s32 $0x1, s17;
	s31 =	rddreg [dreg:$0x1d]  }
0x164: {  	p0 =	sne.s32 s17, s31  }
.Ltmp14:
0x165: {  	_ = 	snop;
	(pc) =	sbr.rel @p0 .LBB2_1-.Ltmp14, $3  }
0x166: {  	_ =	sdelay $0x1  }
0x167: {  	[sflag:s26] =	ssyncset.done $0x0  }
0x168: {  	[sflag:s26] =	ssyncadd.s32 $0xFFFFC180  }
0x169: {  	_ =	sfence.sel $0x180000  }
0x16a: {  	[bflag:$0x0] =	sbarrier.arrive $0xFFFF  }
0x16b: {  	_ =	strace $0x90000047  }
0x16c: {  	s0 =	stileid.u32;
	[bflag:$0x2] =	sbarrier.arrive $0xFFFF  }
0x16d: {  	p0 =	sne.s32 s0, $0x0;
	s0 =	rddreg [dreg:$0x3]  }
0x16e: {  	s0 =	sadd.s32 @!p0 $0x100000, s0  }
0x16f: {  	[sflag:s0] =	ssyncadd.tile.s32 @!p0 $0x1;
	_ =	shalt  }
.Lfunc_end2:
_tile_overlayer_lowered:
.L_overlay_start_2:
0x170: {  	(tag) =	ssettag $0x2  }
0x171: {  	s0 =	rddreg [dreg:$0x0];
	s2 =	stileid.u32  }
0x172: {  	s1 =	rddreg [dreg:$0x1];
	p0 =	sne.s32 s2, $0x0  }
0x173: {  	s3 =	rddreg [dreg:$0x2];
	[bflag:$0x3] =	sbarrier.arrive $0xFFFF;
	s2 =	simm.s32 @!p0 $0x1C07  }
0x174: {  	[timem:s3], [sflag:s2] =	dma.local @!p0 [hbm:s0], s1  }
0x175: {  	s0 =	simm.s32 @!p0 $0x7  }
0x176: {  	_ =	swait.ge @!p0 [sflag:s0], s1  }
0x177: {  	s1 =	ssub.s32 @!p0 $0x0, s1;
	[sflag:s0] =	ssyncset.done @!p0 $0x0  }
0x178: {  	[sflag:s0] =	ssyncadd.s32 @!p0 s1  }
0x179: {  	[bflag:$0x3] =	sbarrier.arrive $0xFFFF  }
0x17a: {  	_ =	shalt  }

</sc_bundles>
